<compile_context>
chip_gen: v7x
topology: tpu7x:2x2x1
jax: 0.10.2.dev20260603
libtpu: 0.0.44.dev20260713+nightly
codegen_flags: <defaults>
</compile_context>

<pallas_src>
import functools

import jax
import jax.numpy as jnp
from jax import lax
from jax.experimental import pallas as pl
from jax.experimental.pallas import tpu as pltpu
from jax.experimental.pallas import tpu_sc as plsc

N = 10000
E = 320000
NC = 2
NS = 16
NW = NC * NS
C = 80
K = E // (NW * C)
NPAD = 10240
RPT = NPAD // NS
ZR = 128
BM = 1000


def _mesh():
    return plsc.VectorSubcoreMesh(core_axis_name="c", subcore_axis_name="s")


@functools.partial(
    pl.kernel,
    out_type=jax.ShapeDtypeStruct((NC, 1, NPAD), jnp.float32),
    mesh=_mesh(),
    scratch_types=[pltpu.VMEM_SHARED((NPAD,), jnp.float32)],
    compiler_params=pltpu.CompilerParams(use_tc_tiling_on_sc=False),
)
def _deg_pass(dstr_hbm, out_hbm, acc):
    c = lax.axis_index("c")
    s = lax.axis_index("s")
    w = s * NC + c

    def body(idx_d, ones, zbuf):
        one = jnp.ones((16,), jnp.float32)
        zero = jnp.zeros((16,), jnp.float32)
        for i in range(C // 16):
            ones[pl.ds(i * 16, 16)] = one

        @pl.loop(0, RPT // 16)
        def _(i):
            zbuf[pl.ds(i * 16, 16)] = zero

        pltpu.sync_copy(zbuf, acc.at[pl.ds(s * RPT, RPT)])
        pltpu.sync_copy(dstr_hbm.at[w], idx_d)
        plsc.subcore_barrier()

        @pl.loop(0, K)
        def _(j):
            pltpu.sync_copy(ones, acc.at[idx_d.at[j]], add=True)

        plsc.subcore_barrier()
        pltpu.sync_copy(acc.at[pl.ds(s * RPT, RPT)],
                        out_hbm.at[c, 0, pl.ds(s * RPT, RPT)])

    pl.run_scoped(
        body,
        pltpu.VMEM((K, C), jnp.int32),
        pltpu.VMEM((C,), jnp.float32),
        pltpu.VMEM((RPT,), jnp.float32),
    )


def _make_edge_pass(F):
    @functools.partial(
        pl.kernel,
        out_type=jax.ShapeDtypeStruct((NC, NPAD, F), jnp.float32),
        mesh=_mesh(),
        scratch_types=[pltpu.VMEM_SHARED((NPAD, F), jnp.float32)],
        compiler_params=pltpu.CompilerParams(use_tc_tiling_on_sc=(F == 128)),
    )
    def edge_pass(y_hbm, srcr_hbm, dstr_hbm, out_hbm, acc):
        c = lax.axis_index("c")
        s = lax.axis_index("s")
        w = s * NC + c

        def body(idx_s, idx_d, rows, sem):
            zero = jnp.zeros((16,), jnp.float32)

            @pl.loop(0, C)
            def _(i):
                for f in range(F // 16):
                    rows[i, pl.ds(f * 16, 16)] = zero

            for m in range(RPT // C):
                pltpu.sync_copy(rows, acc.at[pl.ds(s * RPT + m * C, C)])
            pltpu.sync_copy(srcr_hbm.at[w], idx_s)
            pltpu.sync_copy(dstr_hbm.at[w], idx_d)
            plsc.subcore_barrier()

            @pl.loop(0, K)
            def _(j):
                pltpu.async_copy(y_hbm.at[idx_s.at[j]], rows, sem).wait()
                pltpu.sync_copy(rows, acc.at[idx_d.at[j]], add=True)

            plsc.subcore_barrier()
            pltpu.sync_copy(acc.at[pl.ds(s * RPT, RPT)],
                            out_hbm.at[c, pl.ds(s * RPT, RPT)])

        pl.run_scoped(
            body,
            pltpu.VMEM((K, C), jnp.int32),
            pltpu.VMEM((K, C), jnp.int32),
            pltpu.VMEM((C, F), jnp.float32),
            pltpu.SemaphoreType.DMA,
        )

    return edge_pass


_edge_pass_128 = _make_edge_pass(128)
_edge_pass_64 = _make_edge_pass(64)


@functools.partial(
    pl.kernel,
    out_type=jax.ShapeDtypeStruct((NC, 1, NPAD), jnp.float32),
    mesh=_mesh(),
    scratch_types=[pltpu.VMEM_SHARED((NPAD,), jnp.float32)],
    compiler_params=pltpu.CompilerParams(use_tc_tiling_on_sc=False),
)
def _edge_pass_1(y_hbm, srcr_hbm, dstr_hbm, out_hbm, acc):
    c = lax.axis_index("c")
    s = lax.axis_index("s")
    w = s * NC + c

    def body(idx_s, idx_d, vals, zbuf, sem):
        zero = jnp.zeros((16,), jnp.float32)

        @pl.loop(0, RPT // 16)
        def _(i):
            zbuf[pl.ds(i * 16, 16)] = zero

        pltpu.sync_copy(zbuf, acc.at[pl.ds(s * RPT, RPT)])
        pltpu.sync_copy(srcr_hbm.at[w], idx_s)
        pltpu.sync_copy(dstr_hbm.at[w], idx_d)
        plsc.subcore_barrier()

        @pl.loop(0, K)
        def _(j):
            pltpu.async_copy(y_hbm.at[idx_s.at[j]], vals, sem).wait()
            pltpu.sync_copy(vals, acc.at[idx_d.at[j]], add=True)

        plsc.subcore_barrier()
        pltpu.sync_copy(acc.at[pl.ds(s * RPT, RPT)],
                        out_hbm.at[c, 0, pl.ds(s * RPT, RPT)])

    pl.run_scoped(
        body,
        pltpu.VMEM((K, C), jnp.int32),
        pltpu.VMEM((K, C), jnp.int32),
        pltpu.VMEM((C,), jnp.float32),
        pltpu.VMEM((RPT,), jnp.float32),
        pltpu.SemaphoreType.DMA,
    )


def _mm1_body(x_ref, w_ref, o_ref):
    o_ref[...] = jnp.dot(x_ref[...], w_ref[...],
                         preferred_element_type=jnp.float32)


def _mm1(x, W1):
    return pl.pallas_call(
        _mm1_body,
        grid=(N // BM,),
        in_specs=[pl.BlockSpec((BM, 128), lambda i: (i, 0)),
                  pl.BlockSpec((128, 128), lambda i: (0, 0))],
        out_specs=pl.BlockSpec((BM, 128), lambda i: (i, 0)),
        out_shape=jax.ShapeDtypeStruct((N, 128), jnp.float32),
    )(x, W1)


def _scale1_body(xw_ref, d0_ref, d1_ref, y_ref, dis_ref):
    dis = lax.rsqrt(d0_ref[...] + d1_ref[...] + 1.0)
    y_ref[...] = xw_ref[...] * dis
    dis_ref[...] = dis


def _scale1(xw, d0, d1):
    return pl.pallas_call(
        _scale1_body,
        grid=(N // BM,),
        in_specs=[pl.BlockSpec((BM, 128), lambda i: (i, 0)),
                  pl.BlockSpec((BM, 1), lambda i: (i, 0)),
                  pl.BlockSpec((BM, 1), lambda i: (i, 0))],
        out_specs=[pl.BlockSpec((BM, 128), lambda i: (i, 0)),
                   pl.BlockSpec((BM, 1), lambda i: (i, 0))],
        out_shape=[jax.ShapeDtypeStruct((N, 128), jnp.float32),
                   jax.ShapeDtypeStruct((N, 1), jnp.float32)],
    )(xw, d0, d1)


def _make_comb(Fin, Fout):
    def body(p_ref, y_ref, dis_ref, b_ref, w_ref, o_ref):
        h = jnp.tanh((p_ref[0] + p_ref[1] + y_ref[...]) * dis_ref[...]
                     + b_ref[...])
        o_ref[...] = jnp.dot(h, w_ref[...],
                             preferred_element_type=jnp.float32) * dis_ref[...]

    def comb(p, y, dis, b, w):
        return pl.pallas_call(
            body,
            grid=(N // BM,),
            in_specs=[pl.BlockSpec((NC, BM, Fin), lambda i: (0, i, 0)),
                      pl.BlockSpec((BM, Fin), lambda i: (i, 0)),
                      pl.BlockSpec((BM, 1), lambda i: (i, 0)),
                      pl.BlockSpec((1, Fin), lambda i: (0, 0)),
                      pl.BlockSpec((Fin, Fout), lambda i: (0, 0))],
            out_specs=pl.BlockSpec((BM, Fout), lambda i: (i, 0)),
            out_shape=jax.ShapeDtypeStruct((N, Fout), jnp.float32),
        )(p, y, dis, b, w)

    return comb


_comb1 = _make_comb(128, 64)
_comb2 = _make_comb(64, 1)


def _comb3_body(pa_ref, pb_ref, y_ref, dis_ref, b_ref, o_ref):
    o_ref[...] = ((pa_ref[...] + pb_ref[...] + y_ref[...]) * dis_ref[...]
                  + b_ref[...])


def _comb3(pa, pb, y, dis, b):
    return pl.pallas_call(
        _comb3_body,
        grid=(N // BM,),
        in_specs=[pl.BlockSpec((BM, 1), lambda i: (i, 0)),
                  pl.BlockSpec((BM, 1), lambda i: (i, 0)),
                  pl.BlockSpec((BM, 1), lambda i: (i, 0)),
                  pl.BlockSpec((BM, 1), lambda i: (i, 0)),
                  pl.BlockSpec((1, 1), lambda i: (0, 0))],
        out_specs=pl.BlockSpec((BM, 1), lambda i: (i, 0)),
        out_shape=jax.ShapeDtypeStruct((N, 1), jnp.float32),
    )(pa, pb, y, dis, b)


def kernel(x, edge_index, W1, b1, W2, b2, W3, b3):
    src = edge_index[0].reshape(NW, K, C)
    dst = edge_index[1].reshape(NW, K, C)

    degp = _deg_pass(dst)
    xw1 = _mm1(x, W1)
    d0 = degp[0, 0, :N].reshape(N, 1)
    d1 = degp[1, 0, :N].reshape(N, 1)
    y1, dis = _scale1(xw1, d0, d1)

    p1 = _edge_pass_128(y1, src, dst)
    y2 = _comb1(p1, y1, dis, b1.reshape(1, 128), W2)

    p2 = _edge_pass_64(y2, src, dst)
    y3 = _comb2(p2, y2, dis, b2.reshape(1, 64), W3)

    p3 = _edge_pass_1(y3.reshape(N), src, dst)
    q0 = p3[0, 0, :N].reshape(N, 1)
    q1 = p3[1, 0, :N].reshape(N, 1)
    return _comb3(q0, q1, y3, dis, b3.reshape(1, 1))

# --- scband reference (transcript-rebuilt; emitter-appended) ---
"""Pipeline reference for scband-attention-h-18107582120775 (READ-ONLY COPY).

The authoritative reference and input builder live on the scoring server;
editing this copy changes nothing except your own understanding.
"""

import jax, jax.numpy as jnp
import numpy as np

N = 10000
E = 320000
D = 128  # = 2 * size_in
D_HALF = 64  # = size_in


def gcn_conv(x, edge_index, W, b):
    # Faithful PyG GCNConv (normalize=True, add_self_loops=True):
    # out = D^{-1/2} (A + I) D^{-1/2} (X W) + b
    n = x.shape[0]
    src = edge_index[0]
    dst = edge_index[1]
    loop = jnp.arange(n, dtype=src.dtype)
    src = jnp.concatenate([src, loop])
    dst = jnp.concatenate([dst, loop])
    ones = jnp.ones(src.shape[0], dtype=x.dtype)
    deg = jax.ops.segment_sum(ones, dst, num_segments=n)
    deg_inv_sqrt = jnp.where(deg > 0, 1.0 / jnp.sqrt(deg), 0.0)
    norm = deg_inv_sqrt[src] * deg_inv_sqrt[dst]
    xw = x @ W
    msgs = xw[src] * norm[:, None]
    out = jax.ops.segment_sum(msgs, dst, num_segments=n)
    return out + b


def setup_inputs(seed: int = 0):
    key = jax.random.key(seed)
    ks = jax.random.split(key, 8)
    x = jax.random.normal(ks[0], (N, D), dtype=jnp.float32)
    edge_index = jax.random.randint(ks[1], (2, E), 0, N, dtype=jnp.int32)
    # layer1: GCNConv(2*size_in -> 2*size_in)
    W1 = jax.random.normal(ks[2], (D, D), dtype=jnp.float32) * (1.0 / np.sqrt(D))
    b1 = jnp.zeros((D,), dtype=jnp.float32)
    # layer2: GCNConv(2*size_in -> size_in)
    W2 = jax.random.normal(ks[3], (D, D_HALF), dtype=jnp.float32) * (1.0 / np.sqrt(D))
    b2 = jnp.zeros((D_HALF,), dtype=jnp.float32)
    # layer3: GCNConv(size_in -> 1)
    W3 = jax.random.normal(ks[4], (D_HALF, 1), dtype=jnp.float32) * (1.0 / np.sqrt(D_HALF))
    b3 = jnp.zeros((1,), dtype=jnp.float32)
    return {"x": x, "edge_index": edge_index, "W1": W1, "b1": b1, "W2": W2, "b2": b2, "W3": W3, "b3": b3}


def reference(x, edge_index, W1, b1, W2, b2, W3, b3):
    out = gcn_conv(x, edge_index, W1, b1)
    out = jnp.tanh(out)
    out = gcn_conv(out, edge_index, W2, b2)
    out = jnp.tanh(out)
    out = gcn_conv(out, edge_index, W3, b3)
    return out

if __name__ == "__main__":
    import jax
    _d = setup_inputs()
    print(jax.jit(kernel)(*tuple(_d.values())))

</pallas_src>

<mosaic_0001>
#map = affine_map<(d0, d1) -> (0)>
#map1 = affine_map<(d0, d1) -> (0, 0, 0)>
module attributes {stable_mosaic.version = 14 : i64} {
  func.func @_edge_pass_1(%arg0: i32, %arg1: i32, %arg2: memref<10000xf32, #tpu.memory_space<hbm>>, %arg3: memref<32x125x80xi32, #tpu.memory_space<hbm>>, %arg4: memref<32x125x80xi32, #tpu.memory_space<hbm>>, %arg5: memref<2x1x10240xf32, #tpu.memory_space<hbm>>, %arg6: memref<10240xf32, #tpu.memory_space<vmem_shared>>) attributes {dimension_semantics = [#tpu.dimension_semantics<core_parallel>, #tpu.dimension_semantics<subcore_parallel>], iteration_bounds = array<i64: 2, 16>, scalar_prefetch = 0 : i64, scratch_operands = 1 : i64, tpu.core_type = #tpu.core_type<sc_vector_subcore>, window_params = [{transform_indices = #map}, {transform_indices = #map1}, {transform_indices = #map1}, {transform_indices = #map1}]} {
    %mul3A = arith.constant 2 : i32
    %mul3A_0 = arith.muli %arg1, %mul3A : i32
    %add3A = arith.addi %mul3A_0, %arg0 : i32
    "tpu.region"() ({
      %run_scoped3A = memref.alloca() : memref<125x80xi32, #tpu.memory_space<vmem>>
      %run_scoped3A_1 = memref.alloca() : memref<125x80xi32, #tpu.memory_space<vmem>>
      %run_scoped3A_2 = memref.alloca() : memref<80xf32, #tpu.memory_space<vmem>>
      %run_scoped3A_3 = memref.alloca() : memref<640xf32, #tpu.memory_space<vmem>>
      %run_scoped3A_4 = tpu.sem_alloc : memref<!tpu.dma_semaphore, #tpu.memory_space<semaphore_mem>>
      %broadcast_in_dim3A = arith.constant 0.000000e+00 : f32
      %broadcast_in_dim3A_5 = vector.broadcast %broadcast_in_dim3A : f32 to vector<16xf32>
      %scan3A = arith.constant 0 : i32
      %scan3A_6 = arith.constant 40 : i32
      %scan3A_7 = arith.addi %scan3A, %scan3A_6 : i32
      %scan3A_8 = arith.constant 1 : i32
      scf.for %scan3A_23 = %scan3A to %scan3A_7 step %scan3A_8  : i32 {
        %mul3A_24 = arith.constant 1 : i32
        %mul3A_25 = arith.muli %scan3A_23, %mul3A_24 : i32
        %add3A_26 = arith.constant 0 : i32
        %add3A_27 = arith.addi %add3A_26, %mul3A_25 : i32
        %mul3A_28 = arith.constant 16 : i32
        %mul3A_29 = arith.muli %add3A_27, %mul3A_28 : i32
        %swap3A = arith.index_cast %mul3A_29 : i32 to index
        %swap3A_30 = tpu.vector_load %run_scoped3A_3[%swap3A] {strides = array<i32>} : memref<640xf32, #tpu.memory_space<vmem>>, vector<16xf32>,
        %swap3A_31 = vector.shape_cast %swap3A_30 : vector<16xf32> to vector<16xf32>
        %swap3A_32 = vector.shape_cast %broadcast_in_dim3A_5 : vector<16xf32> to vector<16xf32>
        tpu.vector_store %run_scoped3A_3[%swap3A], %swap3A_32 {strides = array<i32>} : memref<640xf32, #tpu.memory_space<vmem>>, vector<16xf32>,
      }
      %scan3A_9 = arith.constant 40 : i32
      %mul3A_10 = arith.constant 640 : i32
      %mul3A_11 = arith.muli %arg1, %mul3A_10 : i32
      "tpu.region"() ({
        %run_scoped3A_23 = tpu.sem_alloc : memref<!tpu.dma_semaphore, #tpu.memory_space<semaphore_mem>>
        %dma_start3A = tpu.memref_slice %arg6[%mul3A_11] : memref<10240xf32, #tpu.memory_space<vmem_shared>> -> memref<640xf32, #tpu.memory_space<vmem_shared>>
        %dma_start3A_24 = tpu.memref_slice %arg6[%mul3A_11] : memref<10240xf32, #tpu.memory_space<vmem_shared>> -> memref<640xf32, #tpu.memory_space<vmem_shared>>
        tpu.enqueue_dma source(%run_scoped3A_3 : memref<640xf32, #tpu.memory_space<vmem>>) target(%dma_start3A_24 : memref<640xf32, #tpu.memory_space<vmem_shared>>) target_semaphore(%run_scoped3A_23 : memref<!tpu.dma_semaphore, #tpu.memory_space<semaphore_mem>>)
        %dma_wait3A = tpu.memref_slice %arg6[%mul3A_11] : memref<10240xf32, #tpu.memory_space<vmem_shared>> -> memref<640xf32, #tpu.memory_space<vmem_shared>>
        %dma_wait3A_25 = tpu.memref_slice %arg6[%mul3A_11] : memref<10240xf32, #tpu.memory_space<vmem_shared>> -> memref<640xf32, #tpu.memory_space<vmem_shared>>
        tpu.wait_dma2 semaphore(%run_scoped3A_23 : memref<!tpu.dma_semaphore, #tpu.memory_space<semaphore_mem>>) src(%run_scoped3A_3 : memref<640xf32, #tpu.memory_space<vmem>>) dst(%dma_wait3A_25 : memref<640xf32, #tpu.memory_space<vmem_shared>>)
        tpu.yield
      }) : () -> ()
      "tpu.region"() ({
        %run_scoped3A_23 = tpu.sem_alloc : memref<!tpu.dma_semaphore, #tpu.memory_space<semaphore_mem>>
        %dma_start3A = arith.constant 0 : i32
        %dma_start3A_24 = arith.constant 0 : i32
        %dma_start3A_25 = tpu.memref_slice %arg3[%add3A, %dma_start3A, %dma_start3A_24] : memref<32x125x80xi32, #tpu.memory_space<hbm>> -> memref<1x125x80xi32, #tpu.memory_space<hbm>>
        %dma_start3A_26 = tpu.memref_squeeze %dma_start3A_25 : memref<1x125x80xi32, #tpu.memory_space<hbm>> -> memref<125x80xi32, #tpu.memory_space<hbm>>
        %dma_start3A_27 = arith.constant 0 : i32
        %dma_start3A_28 = arith.constant 0 : i32
        %dma_start3A_29 = tpu.memref_slice %arg3[%add3A, %dma_start3A_27, %dma_start3A_28] : memref<32x125x80xi32, #tpu.memory_space<hbm>> -> memref<1x125x80xi32, #tpu.memory_space<hbm>>
        %dma_start3A_30 = tpu.memref_squeeze %dma_start3A_29 : memref<1x125x80xi32, #tpu.memory_space<hbm>> -> memref<125x80xi32, #tpu.memory_space<hbm>>
        tpu.enqueue_dma source(%dma_start3A_30 : memref<125x80xi32, #tpu.memory_space<hbm>>) target(%run_scoped3A : memref<125x80xi32, #tpu.memory_space<vmem>>) target_semaphore(%run_scoped3A_23 : memref<!tpu.dma_semaphore, #tpu.memory_space<semaphore_mem>>)
        %dma_wait3A = arith.constant 0 : i32
        %dma_wait3A_31 = arith.constant 0 : i32
        %dma_wait3A_32 = tpu.memref_slice %arg3[%add3A, %dma_wait3A, %dma_wait3A_31] : memref<32x125x80xi32, #tpu.memory_space<hbm>> -> memref<1x125x80xi32, #tpu.memory_space<hbm>>
        %dma_wait3A_33 = tpu.memref_squeeze %dma_wait3A_32 : memref<1x125x80xi32, #tpu.memory_space<hbm>> -> memref<125x80xi32, #tpu.memory_space<hbm>>
        %dma_wait3A_34 = arith.constant 0 : i32
        %dma_wait3A_35 = arith.constant 0 : i32
        %dma_wait3A_36 = tpu.memref_slice %arg3[%add3A, %dma_wait3A_34, %dma_wait3A_35] : memref<32x125x80xi32, #tpu.memory_space<hbm>> -> memref<1x125x80xi32, #tpu.memory_space<hbm>>
        %dma_wait3A_37 = tpu.memref_squeeze %dma_wait3A_36 : memref<1x125x80xi32, #tpu.memory_space<hbm>> -> memref<125x80xi32, #tpu.memory_space<hbm>>
        tpu.wait_dma2 semaphore(%run_scoped3A_23 : memref<!tpu.dma_semaphore, #tpu.memory_space<semaphore_mem>>) src(%dma_wait3A_37 : memref<125x80xi32, #tpu.memory_space<hbm>>) dst(%run_scoped3A : memref<125x80xi32, #tpu.memory_space<vmem>>)
        tpu.yield
      }) : () -> ()
      "tpu.region"() ({
        %run_scoped3A_23 = tpu.sem_alloc : memref<!tpu.dma_semaphore, #tpu.memory_space<semaphore_mem>>
        %dma_start3A = arith.constant 0 : i32
        %dma_start3A_24 = arith.constant 0 : i32
        %dma_start3A_25 = tpu.memref_slice %arg4[%add3A, %dma_start3A, %dma_start3A_24] : memref<32x125x80xi32, #tpu.memory_space<hbm>> -> memref<1x125x80xi32, #tpu.memory_space<hbm>>
        %dma_start3A_26 = tpu.memref_squeeze %dma_start3A_25 : memref<1x125x80xi32, #tpu.memory_space<hbm>> -> memref<125x80xi32, #tpu.memory_space<hbm>>
        %dma_start3A_27 = arith.constant 0 : i32
        %dma_start3A_28 = arith.constant 0 : i32
        %dma_start3A_29 = tpu.memref_slice %arg4[%add3A, %dma_start3A_27, %dma_start3A_28] : memref<32x125x80xi32, #tpu.memory_space<hbm>> -> memref<1x125x80xi32, #tpu.memory_space<hbm>>
        %dma_start3A_30 = tpu.memref_squeeze %dma_start3A_29 : memref<1x125x80xi32, #tpu.memory_space<hbm>> -> memref<125x80xi32, #tpu.memory_space<hbm>>
        tpu.enqueue_dma source(%dma_start3A_30 : memref<125x80xi32, #tpu.memory_space<hbm>>) target(%run_scoped3A_1 : memref<125x80xi32, #tpu.memory_space<vmem>>) target_semaphore(%run_scoped3A_23 : memref<!tpu.dma_semaphore, #tpu.memory_space<semaphore_mem>>)
        %dma_wait3A = arith.constant 0 : i32
        %dma_wait3A_31 = arith.constant 0 : i32
        %dma_wait3A_32 = tpu.memref_slice %arg4[%add3A, %dma_wait3A, %dma_wait3A_31] : memref<32x125x80xi32, #tpu.memory_space<hbm>> -> memref<1x125x80xi32, #tpu.memory_space<hbm>>
        %dma_wait3A_33 = tpu.memref_squeeze %dma_wait3A_32 : memref<1x125x80xi32, #tpu.memory_space<hbm>> -> memref<125x80xi32, #tpu.memory_space<hbm>>
        %dma_wait3A_34 = arith.constant 0 : i32
        %dma_wait3A_35 = arith.constant 0 : i32
        %dma_wait3A_36 = tpu.memref_slice %arg4[%add3A, %dma_wait3A_34, %dma_wait3A_35] : memref<32x125x80xi32, #tpu.memory_space<hbm>> -> memref<1x125x80xi32, #tpu.memory_space<hbm>>
        %dma_wait3A_37 = tpu.memref_squeeze %dma_wait3A_36 : memref<1x125x80xi32, #tpu.memory_space<hbm>> -> memref<125x80xi32, #tpu.memory_space<hbm>>
        tpu.wait_dma2 semaphore(%run_scoped3A_23 : memref<!tpu.dma_semaphore, #tpu.memory_space<semaphore_mem>>) src(%dma_wait3A_37 : memref<125x80xi32, #tpu.memory_space<hbm>>) dst(%run_scoped3A_1 : memref<125x80xi32, #tpu.memory_space<vmem>>)
        tpu.yield
      }) : () -> ()
      %barrier3A = arith.constant 0 : index
      tpu.barrier barrier_id(%barrier3A)
      %scan3A_12 = arith.constant 0 : i32
      %scan3A_13 = arith.constant 125 : i32
      %scan3A_14 = arith.addi %scan3A_12, %scan3A_13 : i32
      %scan3A_15 = arith.constant 1 : i32
      scf.for %scan3A_23 = %scan3A_12 to %scan3A_14 step %scan3A_15  : i32 {
        %mul3A_24 = arith.constant 1 : i32
        %mul3A_25 = arith.muli %scan3A_23, %mul3A_24 : i32
        %add3A_26 = arith.constant 0 : i32
        %add3A_27 = arith.addi %add3A_26, %mul3A_25 : i32
        %dma_start3A = arith.constant 0 : i32
        %dma_start3A_28 = tpu.memref_slice %run_scoped3A[%add3A_27, %dma_start3A] : memref<125x80xi32, #tpu.memory_space<vmem>> -> memref<1x80xi32, #tpu.memory_space<vmem>>
        %dma_start3A_29 = tpu.memref_squeeze %dma_start3A_28 : memref<1x80xi32, #tpu.memory_space<vmem>> -> memref<80xi32, #tpu.memory_space<vmem>>
        %dma_start3A_30 = arith.constant 0 : i32
        %dma_start3A_31 = tpu.memref_slice %arg2[%dma_start3A_30] : memref<10000xf32, #tpu.memory_space<hbm>> -> memref<10000xf32, #tpu.memory_space<hbm>>
        tpu.enqueue_indirect_dma source(%dma_start3A_31 : memref<10000xf32, #tpu.memory_space<hbm>>) target(%run_scoped3A_2 : memref<80xf32, #tpu.memory_space<vmem>>) offsets(%dma_start3A_29 : memref<80xi32, #tpu.memory_space<vmem>>) semaphore(%run_scoped3A_4 : memref<!tpu.dma_semaphore, #tpu.memory_space<semaphore_mem>>)
        %dma_wait3A = arith.constant 0 : i32
        %dma_wait3A_32 = tpu.memref_slice %run_scoped3A[%add3A_27, %dma_wait3A] : memref<125x80xi32, #tpu.memory_space<vmem>> -> memref<1x80xi32, #tpu.memory_space<vmem>>
        %dma_wait3A_33 = tpu.memref_squeeze %dma_wait3A_32 : memref<1x80xi32, #tpu.memory_space<vmem>> -> memref<80xi32, #tpu.memory_space<vmem>>
        %dma_wait3A_34 = arith.constant 0 : i32
        %dma_wait3A_35 = tpu.memref_slice %arg2[%dma_wait3A_34] : memref<10000xf32, #tpu.memory_space<hbm>> -> memref<10000xf32, #tpu.memory_space<hbm>>
        tpu.wait_indirect_dma semaphore(%run_scoped3A_4 : memref<!tpu.dma_semaphore, #tpu.memory_space<semaphore_mem>>) src(%dma_wait3A_35 : memref<10000xf32, #tpu.memory_space<hbm>>) dst(%run_scoped3A_2 : memref<80xf32, #tpu.memory_space<vmem>>)
        "tpu.region"() ({
          %run_scoped3A_36 = tpu.sem_alloc : memref<!tpu.dma_semaphore, #tpu.memory_space<semaphore_mem>>
          %dma_start3A_37 = arith.constant 0 : i32
          %dma_start3A_38 = tpu.memref_slice %run_scoped3A_1[%add3A_27, %dma_start3A_37] : memref<125x80xi32, #tpu.memory_space<vmem>> -> memref<1x80xi32, #tpu.memory_space<vmem>>
          %dma_start3A_39 = tpu.memref_squeeze %dma_start3A_38 : memref<1x80xi32, #tpu.memory_space<vmem>> -> memref<80xi32, #tpu.memory_space<vmem>>
          %dma_start3A_40 = arith.constant 0 : i32
          %dma_start3A_41 = tpu.memref_slice %arg6[%dma_start3A_40] : memref<10240xf32, #tpu.memory_space<vmem_shared>> -> memref<10240xf32, #tpu.memory_space<vmem_shared>>
          tpu.enqueue_indirect_dma source(%run_scoped3A_2 : memref<80xf32, #tpu.memory_space<vmem>>) target(%dma_start3A_41 : memref<10240xf32, #tpu.memory_space<vmem_shared>>) offsets(%dma_start3A_39 : memref<80xi32, #tpu.memory_space<vmem>>) semaphore(%run_scoped3A_36 : memref<!tpu.dma_semaphore, #tpu.memory_space<semaphore_mem>>) {add = true}
          %dma_wait3A_42 = arith.constant 0 : i32
          %dma_wait3A_43 = tpu.memref_slice %run_scoped3A_1[%add3A_27, %dma_wait3A_42] : memref<125x80xi32, #tpu.memory_space<vmem>> -> memref<1x80xi32, #tpu.memory_space<vmem>>
          %dma_wait3A_44 = tpu.memref_squeeze %dma_wait3A_43 : memref<1x80xi32, #tpu.memory_space<vmem>> -> memref<80xi32, #tpu.memory_space<vmem>>
          %dma_wait3A_45 = arith.constant 0 : i32
          %dma_wait3A_46 = tpu.memref_slice %arg6[%dma_wait3A_45] : memref<10240xf32, #tpu.memory_space<vmem_shared>> -> memref<10240xf32, #tpu.memory_space<vmem_shared>>
          tpu.wait_indirect_dma semaphore(%run_scoped3A_36 : memref<!tpu.dma_semaphore, #tpu.memory_space<semaphore_mem>>) src(%run_scoped3A_2 : memref<80xf32, #tpu.memory_space<vmem>>) dst(%dma_wait3A_46 : memref<10240xf32, #tpu.memory_space<vmem_shared>>)
          tpu.yield
        }) : () -> ()
      }
      %scan3A_16 = arith.constant 125 : i32
      %barrier3A_17 = arith.constant 0 : index
      tpu.barrier barrier_id(%barrier3A_17)
      %mul3A_18 = arith.constant 640 : i32
      %mul3A_19 = arith.muli %arg1, %mul3A_18 : i32
      %mul3A_20 = arith.constant 640 : i32
      %mul3A_21 = arith.muli %arg1, %mul3A_20 : i32
      %run_scoped3A_22 = arith.constant 0 : i32
      "tpu.region"() ({
        %run_scoped3A_23 = tpu.sem_alloc : memref<!tpu.dma_semaphore, #tpu.memory_space<semaphore_mem>>
        %dma_start3A = tpu.memref_slice %arg5[%arg0, %run_scoped3A_22, %mul3A_21] : memref<2x1x10240xf32, #tpu.memory_space<hbm>> -> memref<1x1x640xf32, #tpu.memory_space<hbm>>
        %dma_start3A_24 = tpu.memref_squeeze %dma_start3A : memref<1x1x640xf32, #tpu.memory_space<hbm>> -> memref<640xf32, #tpu.memory_space<hbm>>
        %dma_start3A_25 = tpu.memref_slice %arg6[%mul3A_19] : memref<10240xf32, #tpu.memory_space<vmem_shared>> -> memref<640xf32, #tpu.memory_space<vmem_shared>>
        tpu.enqueue_dma source(%dma_start3A_25 : memref<640xf32, #tpu.memory_space<vmem_shared>>) target(%dma_start3A_24 : memref<640xf32, #tpu.memory_space<hbm>>) target_semaphore(%run_scoped3A_23 : memref<!tpu.dma_semaphore, #tpu.memory_space<semaphore_mem>>)
        %dma_wait3A = tpu.memref_slice %arg5[%arg0, %run_scoped3A_22, %mul3A_21] : memref<2x1x10240xf32, #tpu.memory_space<hbm>> -> memref<1x1x640xf32, #tpu.memory_space<hbm>>
        %dma_wait3A_26 = tpu.memref_squeeze %dma_wait3A : memref<1x1x640xf32, #tpu.memory_space<hbm>> -> memref<640xf32, #tpu.memory_space<hbm>>
        %dma_wait3A_27 = tpu.memref_slice %arg6[%mul3A_19] : memref<10240xf32, #tpu.memory_space<vmem_shared>> -> memref<640xf32, #tpu.memory_space<vmem_shared>>
        tpu.wait_dma2 semaphore(%run_scoped3A_23 : memref<!tpu.dma_semaphore, #tpu.memory_space<semaphore_mem>>) src(%dma_wait3A_27 : memref<640xf32, #tpu.memory_space<vmem_shared>>) dst(%dma_wait3A_26 : memref<640xf32, #tpu.memory_space<hbm>>)
        tpu.yield
      }) : () -> ()
      tpu.yield
    }) : () -> ()
    return
  }
}

#map = affine_map<(d0, d1) -> (0, 0)>
#map1 = affine_map<(d0, d1) -> (0, 0, 0)>
module attributes {stable_mosaic.version = 14 : i64} {
  func.func @edge_pass(%arg0: i32, %arg1: i32, %arg2: memref<10000x64xf32, #tpu.memory_space<hbm>>, %arg3: memref<32x125x80xi32, #tpu.memory_space<hbm>>, %arg4: memref<32x125x80xi32, #tpu.memory_space<hbm>>, %arg5: memref<2x10240x64xf32, #tpu.memory_space<hbm>>, %arg6: memref<10240x64xf32, #tpu.memory_space<vmem_shared>>) attributes {dimension_semantics = [#tpu.dimension_semantics<core_parallel>, #tpu.dimension_semantics<subcore_parallel>], iteration_bounds = array<i64: 2, 16>, scalar_prefetch = 0 : i64, scratch_operands = 1 : i64, tpu.core_type = #tpu.core_type<sc_vector_subcore>, window_params = [{transform_indices = #map}, {transform_indices = #map1}, {transform_indices = #map1}, {transform_indices = #map1}]} {
    %mul3A = arith.constant 2 : i32
    %mul3A_0 = arith.muli %arg1, %mul3A : i32
    %add3A = arith.addi %mul3A_0, %arg0 : i32
    "tpu.region"() ({
      %run_scoped3A = memref.alloca() : memref<125x80xi32, #tpu.memory_space<vmem>>
      %run_scoped3A_1 = memref.alloca() : memref<125x80xi32, #tpu.memory_space<vmem>>
      %run_scoped3A_2 = memref.alloca() : memref<80x64xf32, #tpu.memory_space<vmem>>
      %run_scoped3A_3 = tpu.sem_alloc : memref<!tpu.dma_semaphore, #tpu.memory_space<semaphore_mem>>
      %broadcast_in_dim3A = arith.constant 0.000000e+00 : f32
      %broadcast_in_dim3A_4 = vector.broadcast %broadcast_in_dim3A : f32 to vector<16xf32>
      %scan3A = arith.constant 0 : i32
      %scan3A_5 = arith.constant 80 : i32
      %scan3A_6 = arith.addi %scan3A, %scan3A_5 : i32
      %scan3A_7 = arith.constant 1 : i32
      scf.for %scan3A_51 = %scan3A to %scan3A_6 step %scan3A_7  : i32 {
        %mul3A_52 = arith.constant 1 : i32
        %mul3A_53 = arith.muli %scan3A_51, %mul3A_52 : i32
        %add3A_54 = arith.constant 0 : i32
        %add3A_55 = arith.addi %add3A_54, %mul3A_53 : i32
        %swap3A = arith.index_cast %add3A_55 : i32 to index
        %swap3A_56 = arith.constant 0 : index
        %swap3A_57 = tpu.vector_load %run_scoped3A_2[%swap3A, %swap3A_56] {strides = array<i32>} : memref<80x64xf32, #tpu.memory_space<vmem>>, vector<1x16xf32>,
        %swap3A_58 = vector.shape_cast %swap3A_57 : vector<1x16xf32> to vector<16xf32>
        %swap3A_59 = vector.shape_cast %broadcast_in_dim3A_4 : vector<16xf32> to vector<1x16xf32>
        tpu.vector_store %run_scoped3A_2[%swap3A, %swap3A_56], %swap3A_59 {strides = array<i32>} : memref<80x64xf32, #tpu.memory_space<vmem>>, vector<1x16xf32>,
        %swap3A_60 = arith.index_cast %add3A_55 : i32 to index
        %swap3A_61 = arith.constant 16 : index
        %swap3A_62 = tpu.vector_load %run_scoped3A_2[%swap3A_60, %swap3A_61] {strides = array<i32>} : memref<80x64xf32, #tpu.memory_space<vmem>>, vector<1x16xf32>,
        %swap3A_63 = vector.shape_cast %swap3A_62 : vector<1x16xf32> to vector<16xf32>
        %swap3A_64 = vector.shape_cast %broadcast_in_dim3A_4 : vector<16xf32> to vector<1x16xf32>
        tpu.vector_store %run_scoped3A_2[%swap3A_60, %swap3A_61], %swap3A_64 {strides = array<i32>} : memref<80x64xf32, #tpu.memory_space<vmem>>, vector<1x16xf32>,
        %swap3A_65 = arith.index_cast %add3A_55 : i32 to index
        %swap3A_66 = arith.constant 32 : index
        %swap3A_67 = tpu.vector_load %run_scoped3A_2[%swap3A_65, %swap3A_66] {strides = array<i32>} : memref<80x64xf32, #tpu.memory_space<vmem>>, vector<1x16xf32>,
        %swap3A_68 = vector.shape_cast %swap3A_67 : vector<1x16xf32> to vector<16xf32>
        %swap3A_69 = vector.shape_cast %broadcast_in_dim3A_4 : vector<16xf32> to vector<1x16xf32>
        tpu.vector_store %run_scoped3A_2[%swap3A_65, %swap3A_66], %swap3A_69 {strides = array<i32>} : memref<80x64xf32, #tpu.memory_space<vmem>>, vector<1x16xf32>,
        %swap3A_70 = arith.index_cast %add3A_55 : i32 to index
        %swap3A_71 = arith.constant 48 : index
        %swap3A_72 = tpu.vector_load %run_scoped3A_2[%swap3A_70, %swap3A_71] {strides = array<i32>} : memref<80x64xf32, #tpu.memory_space<vmem>>, vector<1x16xf32>,
        %swap3A_73 = vector.shape_cast %swap3A_72 : vector<1x16xf32> to vector<16xf32>
        %swap3A_74 = vector.shape_cast %broadcast_in_dim3A_4 : vector<16xf32> to vector<1x16xf32>
        tpu.vector_store %run_scoped3A_2[%swap3A_70, %swap3A_71], %swap3A_74 {strides = array<i32>} : memref<80x64xf32, #tpu.memory_space<vmem>>, vector<1x16xf32>,
      }
      %scan3A_8 = arith.constant 80 : i32
      %mul3A_9 = arith.constant 640 : i32
      %mul3A_10 = arith.muli %arg1, %mul3A_9 : i32
      %add3A_11 = arith.constant 0 : i32
      %add3A_12 = arith.addi %mul3A_10, %add3A_11 : i32
      "tpu.region"() ({
        %run_scoped3A_51 = tpu.sem_alloc : memref<!tpu.dma_semaphore, #tpu.memory_space<semaphore_mem>>
        %dma_start3A = arith.constant 0 : i32
        %dma_start3A_52 = tpu.memref_slice %arg6[%add3A_12, %dma_start3A] : memref<10240x64xf32, #tpu.memory_space<vmem_shared>> -> memref<80x64xf32, #tpu.memory_space<vmem_shared>>
        %dma_start3A_53 = arith.constant 0 : i32
        %dma_start3A_54 = tpu.memref_slice %arg6[%add3A_12, %dma_start3A_53] : memref<10240x64xf32, #tpu.memory_space<vmem_shared>> -> memref<80x64xf32, #tpu.memory_space<vmem_shared>>
        tpu.enqueue_dma source(%run_scoped3A_2 : memref<80x64xf32, #tpu.memory_space<vmem>>) target(%dma_start3A_54 : memref<80x64xf32, #tpu.memory_space<vmem_shared>>) target_semaphore(%run_scoped3A_51 : memref<!tpu.dma_semaphore, #tpu.memory_space<semaphore_mem>>)
        %dma_wait3A = arith.constant 0 : i32
        %dma_wait3A_55 = tpu.memref_slice %arg6[%add3A_12, %dma_wait3A] : memref<10240x64xf32, #tpu.memory_space<vmem_shared>> -> memref<80x64xf32, #tpu.memory_space<vmem_shared>>
        %dma_wait3A_56 = arith.constant 0 : i32
        %dma_wait3A_57 = tpu.memref_slice %arg6[%add3A_12, %dma_wait3A_56] : memref<10240x64xf32, #tpu.memory_space<vmem_shared>> -> memref<80x64xf32, #tpu.memory_space<vmem_shared>>
        tpu.wait_dma2 semaphore(%run_scoped3A_51 : memref<!tpu.dma_semaphore, #tpu.memory_space<semaphore_mem>>) src(%run_scoped3A_2 : memref<80x64xf32, #tpu.memory_space<vmem>>) dst(%dma_wait3A_57 : memref<80x64xf32, #tpu.memory_space<vmem_shared>>)
        tpu.yield
      }) : () -> ()
      %mul3A_13 = arith.constant 640 : i32
      %mul3A_14 = arith.muli %arg1, %mul3A_13 : i32
      %add3A_15 = arith.constant 80 : i32
      %add3A_16 = arith.addi %mul3A_14, %add3A_15 : i32
      "tpu.region"() ({
        %run_scoped3A_51 = tpu.sem_alloc : memref<!tpu.dma_semaphore, #tpu.memory_space<semaphore_mem>>
        %dma_start3A = arith.constant 0 : i32
        %dma_start3A_52 = tpu.memref_slice %arg6[%add3A_16, %dma_start3A] : memref<10240x64xf32, #tpu.memory_space<vmem_shared>> -> memref<80x64xf32, #tpu.memory_space<vmem_shared>>
        %dma_start3A_53 = arith.constant 0 : i32
        %dma_start3A_54 = tpu.memref_slice %arg6[%add3A_16, %dma_start3A_53] : memref<10240x64xf32, #tpu.memory_space<vmem_shared>> -> memref<80x64xf32, #tpu.memory_space<vmem_shared>>
        tpu.enqueue_dma source(%run_scoped3A_2 : memref<80x64xf32, #tpu.memory_space<vmem>>) target(%dma_start3A_54 : memref<80x64xf32, #tpu.memory_space<vmem_shared>>) target_semaphore(%run_scoped3A_51 : memref<!tpu.dma_semaphore, #tpu.memory_space<semaphore_mem>>)
        %dma_wait3A = arith.constant 0 : i32
        %dma_wait3A_55 = tpu.memref_slice %arg6[%add3A_16, %dma_wait3A] : memref<10240x64xf32, #tpu.memory_space<vmem_shared>> -> memref<80x64xf32, #tpu.memory_space<vmem_shared>>
        %dma_wait3A_56 = arith.constant 0 : i32
        %dma_wait3A_57 = tpu.memref_slice %arg6[%add3A_16, %dma_wait3A_56] : memref<10240x64xf32, #tpu.memory_space<vmem_shared>> -> memref<80x64xf32, #tpu.memory_space<vmem_shared>>
        tpu.wait_dma2 semaphore(%run_scoped3A_51 : memref<!tpu.dma_semaphore, #tpu.memory_space<semaphore_mem>>) src(%run_scoped3A_2 : memref<80x64xf32, #tpu.memory_space<vmem>>) dst(%dma_wait3A_57 : memref<80x64xf32, #tpu.memory_space<vmem_shared>>)
        tpu.yield
      }) : () -> ()
      %mul3A_17 = arith.constant 640 : i32
      %mul3A_18 = arith.muli %arg1, %mul3A_17 : i32
      %add3A_19 = arith.constant 160 : i32
      %add3A_20 = arith.addi %mul3A_18, %add3A_19 : i32
      "tpu.region"() ({
        %run_scoped3A_51 = tpu.sem_alloc : memref<!tpu.dma_semaphore, #tpu.memory_space<semaphore_mem>>
        %dma_start3A = arith.constant 0 : i32
        %dma_start3A_52 = tpu.memref_slice %arg6[%add3A_20, %dma_start3A] : memref<10240x64xf32, #tpu.memory_space<vmem_shared>> -> memref<80x64xf32, #tpu.memory_space<vmem_shared>>
        %dma_start3A_53 = arith.constant 0 : i32
        %dma_start3A_54 = tpu.memref_slice %arg6[%add3A_20, %dma_start3A_53] : memref<10240x64xf32, #tpu.memory_space<vmem_shared>> -> memref<80x64xf32, #tpu.memory_space<vmem_shared>>
        tpu.enqueue_dma source(%run_scoped3A_2 : memref<80x64xf32, #tpu.memory_space<vmem>>) target(%dma_start3A_54 : memref<80x64xf32, #tpu.memory_space<vmem_shared>>) target_semaphore(%run_scoped3A_51 : memref<!tpu.dma_semaphore, #tpu.memory_space<semaphore_mem>>)
        %dma_wait3A = arith.constant 0 : i32
        %dma_wait3A_55 = tpu.memref_slice %arg6[%add3A_20, %dma_wait3A] : memref<10240x64xf32, #tpu.memory_space<vmem_shared>> -> memref<80x64xf32, #tpu.memory_space<vmem_shared>>
        %dma_wait3A_56 = arith.constant 0 : i32
        %dma_wait3A_57 = tpu.memref_slice %arg6[%add3A_20, %dma_wait3A_56] : memref<10240x64xf32, #tpu.memory_space<vmem_shared>> -> memref<80x64xf32, #tpu.memory_space<vmem_shared>>
        tpu.wait_dma2 semaphore(%run_scoped3A_51 : memref<!tpu.dma_semaphore, #tpu.memory_space<semaphore_mem>>) src(%run_scoped3A_2 : memref<80x64xf32, #tpu.memory_space<vmem>>) dst(%dma_wait3A_57 : memref<80x64xf32, #tpu.memory_space<vmem_shared>>)
        tpu.yield
      }) : () -> ()
      %mul3A_21 = arith.constant 640 : i32
      %mul3A_22 = arith.muli %arg1, %mul3A_21 : i32
      %add3A_23 = arith.constant 240 : i32
      %add3A_24 = arith.addi %mul3A_22, %add3A_23 : i32
      "tpu.region"() ({
        %run_scoped3A_51 = tpu.sem_alloc : memref<!tpu.dma_semaphore, #tpu.memory_space<semaphore_mem>>
        %dma_start3A = arith.constant 0 : i32
        %dma_start3A_52 = tpu.memref_slice %arg6[%add3A_24, %dma_start3A] : memref<10240x64xf32, #tpu.memory_space<vmem_shared>> -> memref<80x64xf32, #tpu.memory_space<vmem_shared>>
        %dma_start3A_53 = arith.constant 0 : i32
        %dma_start3A_54 = tpu.memref_slice %arg6[%add3A_24, %dma_start3A_53] : memref<10240x64xf32, #tpu.memory_space<vmem_shared>> -> memref<80x64xf32, #tpu.memory_space<vmem_shared>>
        tpu.enqueue_dma source(%run_scoped3A_2 : memref<80x64xf32, #tpu.memory_space<vmem>>) target(%dma_start3A_54 : memref<80x64xf32, #tpu.memory_space<vmem_shared>>) target_semaphore(%run_scoped3A_51 : memref<!tpu.dma_semaphore, #tpu.memory_space<semaphore_mem>>)
        %dma_wait3A = arith.constant 0 : i32
        %dma_wait3A_55 = tpu.memref_slice %arg6[%add3A_24, %dma_wait3A] : memref<10240x64xf32, #tpu.memory_space<vmem_shared>> -> memref<80x64xf32, #tpu.memory_space<vmem_shared>>
        %dma_wait3A_56 = arith.constant 0 : i32
        %dma_wait3A_57 = tpu.memref_slice %arg6[%add3A_24, %dma_wait3A_56] : memref<10240x64xf32, #tpu.memory_space<vmem_shared>> -> memref<80x64xf32, #tpu.memory_space<vmem_shared>>
        tpu.wait_dma2 semaphore(%run_scoped3A_51 : memref<!tpu.dma_semaphore, #tpu.memory_space<semaphore_mem>>) src(%run_scoped3A_2 : memref<80x64xf32, #tpu.memory_space<vmem>>) dst(%dma_wait3A_57 : memref<80x64xf32, #tpu.memory_space<vmem_shared>>)
        tpu.yield
      }) : () -> ()
      %mul3A_25 = arith.constant 640 : i32
      %mul3A_26 = arith.muli %arg1, %mul3A_25 : i32
      %add3A_27 = arith.constant 320 : i32
      %add3A_28 = arith.addi %mul3A_26, %add3A_27 : i32
      "tpu.region"() ({
        %run_scoped3A_51 = tpu.sem_alloc : memref<!tpu.dma_semaphore, #tpu.memory_space<semaphore_mem>>
        %dma_start3A = arith.constant 0 : i32
        %dma_start3A_52 = tpu.memref_slice %arg6[%add3A_28, %dma_start3A] : memref<10240x64xf32, #tpu.memory_space<vmem_shared>> -> memref<80x64xf32, #tpu.memory_space<vmem_shared>>
        %dma_start3A_53 = arith.constant 0 : i32
        %dma_start3A_54 = tpu.memref_slice %arg6[%add3A_28, %dma_start3A_53] : memref<10240x64xf32, #tpu.memory_space<vmem_shared>> -> memref<80x64xf32, #tpu.memory_space<vmem_shared>>
        tpu.enqueue_dma source(%run_scoped3A_2 : memref<80x64xf32, #tpu.memory_space<vmem>>) target(%dma_start3A_54 : memref<80x64xf32, #tpu.memory_space<vmem_shared>>) target_semaphore(%run_scoped3A_51 : memref<!tpu.dma_semaphore, #tpu.memory_space<semaphore_mem>>)
        %dma_wait3A = arith.constant 0 : i32
        %dma_wait3A_55 = tpu.memref_slice %arg6[%add3A_28, %dma_wait3A] : memref<10240x64xf32, #tpu.memory_space<vmem_shared>> -> memref<80x64xf32, #tpu.memory_space<vmem_shared>>
        %dma_wait3A_56 = arith.constant 0 : i32
        %dma_wait3A_57 = tpu.memref_slice %arg6[%add3A_28, %dma_wait3A_56] : memref<10240x64xf32, #tpu.memory_space<vmem_shared>> -> memref<80x64xf32, #tpu.memory_space<vmem_shared>>
        tpu.wait_dma2 semaphore(%run_scoped3A_51 : memref<!tpu.dma_semaphore, #tpu.memory_space<semaphore_mem>>) src(%run_scoped3A_2 : memref<80x64xf32, #tpu.memory_space<vmem>>) dst(%dma_wait3A_57 : memref<80x64xf32, #tpu.memory_space<vmem_shared>>)
        tpu.yield
      }) : () -> ()
      %mul3A_29 = arith.constant 640 : i32
      %mul3A_30 = arith.muli %arg1, %mul3A_29 : i32
      %add3A_31 = arith.constant 400 : i32
      %add3A_32 = arith.addi %mul3A_30, %add3A_31 : i32
      "tpu.region"() ({
        %run_scoped3A_51 = tpu.sem_alloc : memref<!tpu.dma_semaphore, #tpu.memory_space<semaphore_mem>>
        %dma_start3A = arith.constant 0 : i32
        %dma_start3A_52 = tpu.memref_slice %arg6[%add3A_32, %dma_start3A] : memref<10240x64xf32, #tpu.memory_space<vmem_shared>> -> memref<80x64xf32, #tpu.memory_space<vmem_shared>>
        %dma_start3A_53 = arith.constant 0 : i32
        %dma_start3A_54 = tpu.memref_slice %arg6[%add3A_32, %dma_start3A_53] : memref<10240x64xf32, #tpu.memory_space<vmem_shared>> -> memref<80x64xf32, #tpu.memory_space<vmem_shared>>
        tpu.enqueue_dma source(%run_scoped3A_2 : memref<80x64xf32, #tpu.memory_space<vmem>>) target(%dma_start3A_54 : memref<80x64xf32, #tpu.memory_space<vmem_shared>>) target_semaphore(%run_scoped3A_51 : memref<!tpu.dma_semaphore, #tpu.memory_space<semaphore_mem>>)
        %dma_wait3A = arith.constant 0 : i32
        %dma_wait3A_55 = tpu.memref_slice %arg6[%add3A_32, %dma_wait3A] : memref<10240x64xf32, #tpu.memory_space<vmem_shared>> -> memref<80x64xf32, #tpu.memory_space<vmem_shared>>
        %dma_wait3A_56 = arith.constant 0 : i32
        %dma_wait3A_57 = tpu.memref_slice %arg6[%add3A_32, %dma_wait3A_56] : memref<10240x64xf32, #tpu.memory_space<vmem_shared>> -> memref<80x64xf32, #tpu.memory_space<vmem_shared>>
        tpu.wait_dma2 semaphore(%run_scoped3A_51 : memref<!tpu.dma_semaphore, #tpu.memory_space<semaphore_mem>>) src(%run_scoped3A_2 : memref<80x64xf32, #tpu.memory_space<vmem>>) dst(%dma_wait3A_57 : memref<80x64xf32, #tpu.memory_space<vmem_shared>>)
        tpu.yield
      }) : () -> ()
      %mul3A_33 = arith.constant 640 : i32
      %mul3A_34 = arith.muli %arg1, %mul3A_33 : i32
      %add3A_35 = arith.constant 480 : i32
      %add3A_36 = arith.addi %mul3A_34, %add3A_35 : i32
      "tpu.region"() ({
        %run_scoped3A_51 = tpu.sem_alloc : memref<!tpu.dma_semaphore, #tpu.memory_space<semaphore_mem>>
        %dma_start3A = arith.constant 0 : i32
        %dma_start3A_52 = tpu.memref_slice %arg6[%add3A_36, %dma_start3A] : memref<10240x64xf32, #tpu.memory_space<vmem_shared>> -> memref<80x64xf32, #tpu.memory_space<vmem_shared>>
        %dma_start3A_53 = arith.constant 0 : i32
        %dma_start3A_54 = tpu.memref_slice %arg6[%add3A_36, %dma_start3A_53] : memref<10240x64xf32, #tpu.memory_space<vmem_shared>> -> memref<80x64xf32, #tpu.memory_space<vmem_shared>>
        tpu.enqueue_dma source(%run_scoped3A_2 : memref<80x64xf32, #tpu.memory_space<vmem>>) target(%dma_start3A_54 : memref<80x64xf32, #tpu.memory_space<vmem_shared>>) target_semaphore(%run_scoped3A_51 : memref<!tpu.dma_semaphore, #tpu.memory_space<semaphore_mem>>)
        %dma_wait3A = arith.constant 0 : i32
        %dma_wait3A_55 = tpu.memref_slice %arg6[%add3A_36, %dma_wait3A] : memref<10240x64xf32, #tpu.memory_space<vmem_shared>> -> memref<80x64xf32, #tpu.memory_space<vmem_shared>>
        %dma_wait3A_56 = arith.constant 0 : i32
        %dma_wait3A_57 = tpu.memref_slice %arg6[%add3A_36, %dma_wait3A_56] : memref<10240x64xf32, #tpu.memory_space<vmem_shared>> -> memref<80x64xf32, #tpu.memory_space<vmem_shared>>
        tpu.wait_dma2 semaphore(%run_scoped3A_51 : memref<!tpu.dma_semaphore, #tpu.memory_space<semaphore_mem>>) src(%run_scoped3A_2 : memref<80x64xf32, #tpu.memory_space<vmem>>) dst(%dma_wait3A_57 : memref<80x64xf32, #tpu.memory_space<vmem_shared>>)
        tpu.yield
      }) : () -> ()
      %mul3A_37 = arith.constant 640 : i32
      %mul3A_38 = arith.muli %arg1, %mul3A_37 : i32
      %add3A_39 = arith.constant 560 : i32
      %add3A_40 = arith.addi %mul3A_38, %add3A_39 : i32
      "tpu.region"() ({
        %run_scoped3A_51 = tpu.sem_alloc : memref<!tpu.dma_semaphore, #tpu.memory_space<semaphore_mem>>
        %dma_start3A = arith.constant 0 : i32
        %dma_start3A_52 = tpu.memref_slice %arg6[%add3A_40, %dma_start3A] : memref<10240x64xf32, #tpu.memory_space<vmem_shared>> -> memref<80x64xf32, #tpu.memory_space<vmem_shared>>
        %dma_start3A_53 = arith.constant 0 : i32
        %dma_start3A_54 = tpu.memref_slice %arg6[%add3A_40, %dma_start3A_53] : memref<10240x64xf32, #tpu.memory_space<vmem_shared>> -> memref<80x64xf32, #tpu.memory_space<vmem_shared>>
        tpu.enqueue_dma source(%run_scoped3A_2 : memref<80x64xf32, #tpu.memory_space<vmem>>) target(%dma_start3A_54 : memref<80x64xf32, #tpu.memory_space<vmem_shared>>) target_semaphore(%run_scoped3A_51 : memref<!tpu.dma_semaphore, #tpu.memory_space<semaphore_mem>>)
        %dma_wait3A = arith.constant 0 : i32
        %dma_wait3A_55 = tpu.memref_slice %arg6[%add3A_40, %dma_wait3A] : memref<10240x64xf32, #tpu.memory_space<vmem_shared>> -> memref<80x64xf32, #tpu.memory_space<vmem_shared>>
        %dma_wait3A_56 = arith.constant 0 : i32
        %dma_wait3A_57 = tpu.memref_slice %arg6[%add3A_40, %dma_wait3A_56] : memref<10240x64xf32, #tpu.memory_space<vmem_shared>> -> memref<80x64xf32, #tpu.memory_space<vmem_shared>>
        tpu.wait_dma2 semaphore(%run_scoped3A_51 : memref<!tpu.dma_semaphore, #tpu.memory_space<semaphore_mem>>) src(%run_scoped3A_2 : memref<80x64xf32, #tpu.memory_space<vmem>>) dst(%dma_wait3A_57 : memref<80x64xf32, #tpu.memory_space<vmem_shared>>)
        tpu.yield
      }) : () -> ()
      "tpu.region"() ({
        %run_scoped3A_51 = tpu.sem_alloc : memref<!tpu.dma_semaphore, #tpu.memory_space<semaphore_mem>>
        %dma_start3A = arith.constant 0 : i32
        %dma_start3A_52 = arith.constant 0 : i32
        %dma_start3A_53 = tpu.memref_slice %arg3[%add3A, %dma_start3A, %dma_start3A_52] : memref<32x125x80xi32, #tpu.memory_space<hbm>> -> memref<1x125x80xi32, #tpu.memory_space<hbm>>
        %dma_start3A_54 = tpu.memref_squeeze %dma_start3A_53 : memref<1x125x80xi32, #tpu.memory_space<hbm>> -> memref<125x80xi32, #tpu.memory_space<hbm>>
        %dma_start3A_55 = arith.constant 0 : i32
        %dma_start3A_56 = arith.constant 0 : i32
        %dma_start3A_57 = tpu.memref_slice %arg3[%add3A, %dma_start3A_55, %dma_start3A_56] : memref<32x125x80xi32, #tpu.memory_space<hbm>> -> memref<1x125x80xi32, #tpu.memory_space<hbm>>
        %dma_start3A_58 = tpu.memref_squeeze %dma_start3A_57 : memref<1x125x80xi32, #tpu.memory_space<hbm>> -> memref<125x80xi32, #tpu.memory_space<hbm>>
        tpu.enqueue_dma source(%dma_start3A_58 : memref<125x80xi32, #tpu.memory_space<hbm>>) target(%run_scoped3A : memref<125x80xi32, #tpu.memory_space<vmem>>) target_semaphore(%run_scoped3A_51 : memref<!tpu.dma_semaphore, #tpu.memory_space<semaphore_mem>>)
        %dma_wait3A = arith.constant 0 : i32
        %dma_wait3A_59 = arith.constant 0 : i32
        %dma_wait3A_60 = tpu.memref_slice %arg3[%add3A, %dma_wait3A, %dma_wait3A_59] : memref<32x125x80xi32, #tpu.memory_space<hbm>> -> memref<1x125x80xi32, #tpu.memory_space<hbm>>
        %dma_wait3A_61 = tpu.memref_squeeze %dma_wait3A_60 : memref<1x125x80xi32, #tpu.memory_space<hbm>> -> memref<125x80xi32, #tpu.memory_space<hbm>>
        %dma_wait3A_62 = arith.constant 0 : i32
        %dma_wait3A_63 = arith.constant 0 : i32
        %dma_wait3A_64 = tpu.memref_slice %arg3[%add3A, %dma_wait3A_62, %dma_wait3A_63] : memref<32x125x80xi32, #tpu.memory_space<hbm>> -> memref<1x125x80xi32, #tpu.memory_space<hbm>>
        %dma_wait3A_65 = tpu.memref_squeeze %dma_wait3A_64 : memref<1x125x80xi32, #tpu.memory_space<hbm>> -> memref<125x80xi32, #tpu.memory_space<hbm>>
        tpu.wait_dma2 semaphore(%run_scoped3A_51 : memref<!tpu.dma_semaphore, #tpu.memory_space<semaphore_mem>>) src(%dma_wait3A_65 : memref<125x80xi32, #tpu.memory_space<hbm>>) dst(%run_scoped3A : memref<125x80xi32, #tpu.memory_space<vmem>>)
        tpu.yield
      }) : () -> ()
      "tpu.region"() ({
        %run_scoped3A_51 = tpu.sem_alloc : memref<!tpu.dma_semaphore, #tpu.memory_space<semaphore_mem>>
        %dma_start3A = arith.constant 0 : i32
        %dma_start3A_52 = arith.constant 0 : i32
        %dma_start3A_53 = tpu.memref_slice %arg4[%add3A, %dma_start3A, %dma_start3A_52] : memref<32x125x80xi32, #tpu.memory_space<hbm>> -> memref<1x125x80xi32, #tpu.memory_space<hbm>>
        %dma_start3A_54 = tpu.memref_squeeze %dma_start3A_53 : memref<1x125x80xi32, #tpu.memory_space<hbm>> -> memref<125x80xi32, #tpu.memory_space<hbm>>
        %dma_start3A_55 = arith.constant 0 : i32
        %dma_start3A_56 = arith.constant 0 : i32
        %dma_start3A_57 = tpu.memref_slice %arg4[%add3A, %dma_start3A_55, %dma_start3A_56] : memref<32x125x80xi32, #tpu.memory_space<hbm>> -> memref<1x125x80xi32, #tpu.memory_space<hbm>>
        %dma_start3A_58 = tpu.memref_squeeze %dma_start3A_57 : memref<1x125x80xi32, #tpu.memory_space<hbm>> -> memref<125x80xi32, #tpu.memory_space<hbm>>
        tpu.enqueue_dma source(%dma_start3A_58 : memref<125x80xi32, #tpu.memory_space<hbm>>) target(%run_scoped3A_1 : memref<125x80xi32, #tpu.memory_space<vmem>>) target_semaphore(%run_scoped3A_51 : memref<!tpu.dma_semaphore, #tpu.memory_space<semaphore_mem>>)
        %dma_wait3A = arith.constant 0 : i32
        %dma_wait3A_59 = arith.constant 0 : i32
        %dma_wait3A_60 = tpu.memref_slice %arg4[%add3A, %dma_wait3A, %dma_wait3A_59] : memref<32x125x80xi32, #tpu.memory_space<hbm>> -> memref<1x125x80xi32, #tpu.memory_space<hbm>>
        %dma_wait3A_61 = tpu.memref_squeeze %dma_wait3A_60 : memref<1x125x80xi32, #tpu.memory_space<hbm>> -> memref<125x80xi32, #tpu.memory_space<hbm>>
        %dma_wait3A_62 = arith.constant 0 : i32
        %dma_wait3A_63 = arith.constant 0 : i32
        %dma_wait3A_64 = tpu.memref_slice %arg4[%add3A, %dma_wait3A_62, %dma_wait3A_63] : memref<32x125x80xi32, #tpu.memory_space<hbm>> -> memref<1x125x80xi32, #tpu.memory_space<hbm>>
        %dma_wait3A_65 = tpu.memref_squeeze %dma_wait3A_64 : memref<1x125x80xi32, #tpu.memory_space<hbm>> -> memref<125x80xi32, #tpu.memory_space<hbm>>
        tpu.wait_dma2 semaphore(%run_scoped3A_51 : memref<!tpu.dma_semaphore, #tpu.memory_space<semaphore_mem>>) src(%dma_wait3A_65 : memref<125x80xi32, #tpu.memory_space<hbm>>) dst(%run_scoped3A_1 : memref<125x80xi32, #tpu.memory_space<vmem>>)
        tpu.yield
      }) : () -> ()
      %barrier3A = arith.constant 0 : index
      tpu.barrier barrier_id(%barrier3A)
      %scan3A_41 = arith.constant 0 : i32
      %scan3A_42 = arith.constant 125 : i32
      %scan3A_43 = arith.addi %scan3A_41, %scan3A_42 : i32
      %scan3A_44 = arith.constant 1 : i32
      scf.for %scan3A_51 = %scan3A_41 to %scan3A_43 step %scan3A_44  : i32 {
        %mul3A_52 = arith.constant 1 : i32
        %mul3A_53 = arith.muli %scan3A_51, %mul3A_52 : i32
        %add3A_54 = arith.constant 0 : i32
        %add3A_55 = arith.addi %add3A_54, %mul3A_53 : i32
        %dma_start3A = arith.constant 0 : i32
        %dma_start3A_56 = tpu.memref_slice %run_scoped3A[%add3A_55, %dma_start3A] : memref<125x80xi32, #tpu.memory_space<vmem>> -> memref<1x80xi32, #tpu.memory_space<vmem>>
        %dma_start3A_57 = tpu.memref_squeeze %dma_start3A_56 : memref<1x80xi32, #tpu.memory_space<vmem>> -> memref<80xi32, #tpu.memory_space<vmem>>
        %dma_start3A_58 = arith.constant 0 : i32
        %dma_start3A_59 = arith.constant 0 : i32
        %dma_start3A_60 = tpu.memref_slice %arg2[%dma_start3A_58, %dma_start3A_59] : memref<10000x64xf32, #tpu.memory_space<hbm>> -> memref<10000x64xf32, #tpu.memory_space<hbm>>
        tpu.enqueue_indirect_dma source(%dma_start3A_60 : memref<10000x64xf32, #tpu.memory_space<hbm>>) target(%run_scoped3A_2 : memref<80x64xf32, #tpu.memory_space<vmem>>) offsets(%dma_start3A_57 : memref<80xi32, #tpu.memory_space<vmem>>) semaphore(%run_scoped3A_3 : memref<!tpu.dma_semaphore, #tpu.memory_space<semaphore_mem>>)
        %dma_wait3A = arith.constant 0 : i32
        %dma_wait3A_61 = tpu.memref_slice %run_scoped3A[%add3A_55, %dma_wait3A] : memref<125x80xi32, #tpu.memory_space<vmem>> -> memref<1x80xi32, #tpu.memory_space<vmem>>
        %dma_wait3A_62 = tpu.memref_squeeze %dma_wait3A_61 : memref<1x80xi32, #tpu.memory_space<vmem>> -> memref<80xi32, #tpu.memory_space<vmem>>
        %dma_wait3A_63 = arith.constant 0 : i32
        %dma_wait3A_64 = arith.constant 0 : i32
        %dma_wait3A_65 = tpu.memref_slice %arg2[%dma_wait3A_63, %dma_wait3A_64] : memref<10000x64xf32, #tpu.memory_space<hbm>> -> memref<10000x64xf32, #tpu.memory_space<hbm>>
        tpu.wait_indirect_dma semaphore(%run_scoped3A_3 : memref<!tpu.dma_semaphore, #tpu.memory_space<semaphore_mem>>) src(%dma_wait3A_65 : memref<10000x64xf32, #tpu.memory_space<hbm>>) dst(%run_scoped3A_2 : memref<80x64xf32, #tpu.memory_space<vmem>>)
        "tpu.region"() ({
          %run_scoped3A_66 = tpu.sem_alloc : memref<!tpu.dma_semaphore, #tpu.memory_space<semaphore_mem>>
          %dma_start3A_67 = arith.constant 0 : i32
          %dma_start3A_68 = tpu.memref_slice %run_scoped3A_1[%add3A_55, %dma_start3A_67] : memref<125x80xi32, #tpu.memory_space<vmem>> -> memref<1x80xi32, #tpu.memory_space<vmem>>
          %dma_start3A_69 = tpu.memref_squeeze %dma_start3A_68 : memref<1x80xi32, #tpu.memory_space<vmem>> -> memref<80xi32, #tpu.memory_space<vmem>>
          %dma_start3A_70 = arith.constant 0 : i32
          %dma_start3A_71 = arith.constant 0 : i32
          %dma_start3A_72 = tpu.memref_slice %arg6[%dma_start3A_70, %dma_start3A_71] : memref<10240x64xf32, #tpu.memory_space<vmem_shared>> -> memref<10240x64xf32, #tpu.memory_space<vmem_shared>>
          tpu.enqueue_indirect_dma source(%run_scoped3A_2 : memref<80x64xf32, #tpu.memory_space<vmem>>) target(%dma_start3A_72 : memref<10240x64xf32, #tpu.memory_space<vmem_shared>>) offsets(%dma_start3A_69 : memref<80xi32, #tpu.memory_space<vmem>>) semaphore(%run_scoped3A_66 : memref<!tpu.dma_semaphore, #tpu.memory_space<semaphore_mem>>) {add = true}
          %dma_wait3A_73 = arith.constant 0 : i32
          %dma_wait3A_74 = tpu.memref_slice %run_scoped3A_1[%add3A_55, %dma_wait3A_73] : memref<125x80xi32, #tpu.memory_space<vmem>> -> memref<1x80xi32, #tpu.memory_space<vmem>>
          %dma_wait3A_75 = tpu.memref_squeeze %dma_wait3A_74 : memref<1x80xi32, #tpu.memory_space<vmem>> -> memref<80xi32, #tpu.memory_space<vmem>>
          %dma_wait3A_76 = arith.constant 0 : i32
          %dma_wait3A_77 = arith.constant 0 : i32
          %dma_wait3A_78 = tpu.memref_slice %arg6[%dma_wait3A_76, %dma_wait3A_77] : memref<10240x64xf32, #tpu.memory_space<vmem_shared>> -> memref<10240x64xf32, #tpu.memory_space<vmem_shared>>
          tpu.wait_indirect_dma semaphore(%run_scoped3A_66 : memref<!tpu.dma_semaphore, #tpu.memory_space<semaphore_mem>>) src(%run_scoped3A_2 : memref<80x64xf32, #tpu.memory_space<vmem>>) dst(%dma_wait3A_78 : memref<10240x64xf32, #tpu.memory_space<vmem_shared>>)
          tpu.yield
        }) : () -> ()
      }
      %scan3A_45 = arith.constant 125 : i32
      %barrier3A_46 = arith.constant 0 : index
      tpu.barrier barrier_id(%barrier3A_46)
      %mul3A_47 = arith.constant 640 : i32
      %mul3A_48 = arith.muli %arg1, %mul3A_47 : i32
      %mul3A_49 = arith.constant 640 : i32
      %mul3A_50 = arith.muli %arg1, %mul3A_49 : i32
      "tpu.region"() ({
        %run_scoped3A_51 = tpu.sem_alloc : memref<!tpu.dma_semaphore, #tpu.memory_space<semaphore_mem>>
        %dma_start3A = arith.constant 0 : i32
        %dma_start3A_52 = tpu.memref_slice %arg5[%arg0, %mul3A_50, %dma_start3A] : memref<2x10240x64xf32, #tpu.memory_space<hbm>> -> memref<1x640x64xf32, #tpu.memory_space<hbm>>
        %dma_start3A_53 = tpu.memref_squeeze %dma_start3A_52 : memref<1x640x64xf32, #tpu.memory_space<hbm>> -> memref<640x64xf32, #tpu.memory_space<hbm>>
        %dma_start3A_54 = arith.constant 0 : i32
        %dma_start3A_55 = tpu.memref_slice %arg6[%mul3A_48, %dma_start3A_54] : memref<10240x64xf32, #tpu.memory_space<vmem_shared>> -> memref<640x64xf32, #tpu.memory_space<vmem_shared>>
        tpu.enqueue_dma source(%dma_start3A_55 : memref<640x64xf32, #tpu.memory_space<vmem_shared>>) target(%dma_start3A_53 : memref<640x64xf32, #tpu.memory_space<hbm>>) target_semaphore(%run_scoped3A_51 : memref<!tpu.dma_semaphore, #tpu.memory_space<semaphore_mem>>)
        %dma_wait3A = arith.constant 0 : i32
        %dma_wait3A_56 = tpu.memref_slice %arg5[%arg0, %mul3A_50, %dma_wait3A] : memref<2x10240x64xf32, #tpu.memory_space<hbm>> -> memref<1x640x64xf32, #tpu.memory_space<hbm>>
        %dma_wait3A_57 = tpu.memref_squeeze %dma_wait3A_56 : memref<1x640x64xf32, #tpu.memory_space<hbm>> -> memref<640x64xf32, #tpu.memory_space<hbm>>
        %dma_wait3A_58 = arith.constant 0 : i32
        %dma_wait3A_59 = tpu.memref_slice %arg6[%mul3A_48, %dma_wait3A_58] : memref<10240x64xf32, #tpu.memory_space<vmem_shared>> -> memref<640x64xf32, #tpu.memory_space<vmem_shared>>
        tpu.wait_dma2 semaphore(%run_scoped3A_51 : memref<!tpu.dma_semaphore, #tpu.memory_space<semaphore_mem>>) src(%dma_wait3A_59 : memref<640x64xf32, #tpu.memory_space<vmem_shared>>) dst(%dma_wait3A_57 : memref<640x64xf32, #tpu.memory_space<hbm>>)
        tpu.yield
      }) : () -> ()
      tpu.yield
    }) : () -> ()
    return
  }
}

#map = affine_map<(d0, d1) -> (0, 0, 0)>
module attributes {stable_mosaic.version = 14 : i64} {
  func.func @_deg_pass(%arg0: i32, %arg1: i32, %arg2: memref<32x125x80xi32, #tpu.memory_space<hbm>>, %arg3: memref<2x1x10240xf32, #tpu.memory_space<hbm>>, %arg4: memref<10240xf32, #tpu.memory_space<vmem_shared>>) attributes {dimension_semantics = [#tpu.dimension_semantics<core_parallel>, #tpu.dimension_semantics<subcore_parallel>], iteration_bounds = array<i64: 2, 16>, scalar_prefetch = 0 : i64, scratch_operands = 1 : i64, tpu.core_type = #tpu.core_type<sc_vector_subcore>, window_params = [{transform_indices = #map}, {transform_indices = #map}]} {
    %mul3A = arith.constant 2 : i32
    %mul3A_0 = arith.muli %arg1, %mul3A : i32
    %add3A = arith.addi %mul3A_0, %arg0 : i32
    "tpu.region"() ({
      %run_scoped3A = memref.alloca() : memref<125x80xi32, #tpu.memory_space<vmem>>
      %run_scoped3A_1 = memref.alloca() : memref<80xf32, #tpu.memory_space<vmem>>
      %run_scoped3A_2 = memref.alloca() : memref<640xf32, #tpu.memory_space<vmem>>
      %broadcast_in_dim3A = arith.constant 1.000000e+00 : f32
      %broadcast_in_dim3A_3 = vector.broadcast %broadcast_in_dim3A : f32 to vector<16xf32>
      %broadcast_in_dim3A_4 = arith.constant 0.000000e+00 : f32
      %broadcast_in_dim3A_5 = vector.broadcast %broadcast_in_dim3A_4 : f32 to vector<16xf32>
      %swap3A = arith.constant 0 : index
      %swap3A_6 = tpu.vector_load %run_scoped3A_1[%swap3A] {strides = array<i32>} : memref<80xf32, #tpu.memory_space<vmem>>, vector<16xf32>,
      %swap3A_7 = vector.shape_cast %swap3A_6 : vector<16xf32> to vector<16xf32>
      %swap3A_8 = vector.shape_cast %broadcast_in_dim3A_3 : vector<16xf32> to vector<16xf32>
      tpu.vector_store %run_scoped3A_1[%swap3A], %swap3A_8 {strides = array<i32>} : memref<80xf32, #tpu.memory_space<vmem>>, vector<16xf32>,
      %swap3A_9 = arith.constant 16 : index
      %swap3A_10 = tpu.vector_load %run_scoped3A_1[%swap3A_9] {strides = array<i32>} : memref<80xf32, #tpu.memory_space<vmem>>, vector<16xf32>,
      %swap3A_11 = vector.shape_cast %swap3A_10 : vector<16xf32> to vector<16xf32>
      %swap3A_12 = vector.shape_cast %broadcast_in_dim3A_3 : vector<16xf32> to vector<16xf32>
      tpu.vector_store %run_scoped3A_1[%swap3A_9], %swap3A_12 {strides = array<i32>} : memref<80xf32, #tpu.memory_space<vmem>>, vector<16xf32>,
      %swap3A_13 = arith.constant 32 : index
      %swap3A_14 = tpu.vector_load %run_scoped3A_1[%swap3A_13] {strides = array<i32>} : memref<80xf32, #tpu.memory_space<vmem>>, vector<16xf32>,
      %swap3A_15 = vector.shape_cast %swap3A_14 : vector<16xf32> to vector<16xf32>
      %swap3A_16 = vector.shape_cast %broadcast_in_dim3A_3 : vector<16xf32> to vector<16xf32>
      tpu.vector_store %run_scoped3A_1[%swap3A_13], %swap3A_16 {strides = array<i32>} : memref<80xf32, #tpu.memory_space<vmem>>, vector<16xf32>,
      %swap3A_17 = arith.constant 48 : index
      %swap3A_18 = tpu.vector_load %run_scoped3A_1[%swap3A_17] {strides = array<i32>} : memref<80xf32, #tpu.memory_space<vmem>>, vector<16xf32>,
      %swap3A_19 = vector.shape_cast %swap3A_18 : vector<16xf32> to vector<16xf32>
      %swap3A_20 = vector.shape_cast %broadcast_in_dim3A_3 : vector<16xf32> to vector<16xf32>
      tpu.vector_store %run_scoped3A_1[%swap3A_17], %swap3A_20 {strides = array<i32>} : memref<80xf32, #tpu.memory_space<vmem>>, vector<16xf32>,
      %swap3A_21 = arith.constant 64 : index
      %swap3A_22 = tpu.vector_load %run_scoped3A_1[%swap3A_21] {strides = array<i32>} : memref<80xf32, #tpu.memory_space<vmem>>, vector<16xf32>,
      %swap3A_23 = vector.shape_cast %swap3A_22 : vector<16xf32> to vector<16xf32>
      %swap3A_24 = vector.shape_cast %broadcast_in_dim3A_3 : vector<16xf32> to vector<16xf32>
      tpu.vector_store %run_scoped3A_1[%swap3A_21], %swap3A_24 {strides = array<i32>} : memref<80xf32, #tpu.memory_space<vmem>>, vector<16xf32>,
      %scan3A = arith.constant 0 : i32
      %scan3A_25 = arith.constant 40 : i32
      %scan3A_26 = arith.addi %scan3A, %scan3A_25 : i32
      %scan3A_27 = arith.constant 1 : i32
      scf.for %scan3A_42 = %scan3A to %scan3A_26 step %scan3A_27  : i32 {
        %mul3A_43 = arith.constant 1 : i32
        %mul3A_44 = arith.muli %scan3A_42, %mul3A_43 : i32
        %add3A_45 = arith.constant 0 : i32
        %add3A_46 = arith.addi %add3A_45, %mul3A_44 : i32
        %mul3A_47 = arith.constant 16 : i32
        %mul3A_48 = arith.muli %add3A_46, %mul3A_47 : i32
        %swap3A_49 = arith.index_cast %mul3A_48 : i32 to index
        %swap3A_50 = tpu.vector_load %run_scoped3A_2[%swap3A_49] {strides = array<i32>} : memref<640xf32, #tpu.memory_space<vmem>>, vector<16xf32>,
        %swap3A_51 = vector.shape_cast %swap3A_50 : vector<16xf32> to vector<16xf32>
        %swap3A_52 = vector.shape_cast %broadcast_in_dim3A_5 : vector<16xf32> to vector<16xf32>
        tpu.vector_store %run_scoped3A_2[%swap3A_49], %swap3A_52 {strides = array<i32>} : memref<640xf32, #tpu.memory_space<vmem>>, vector<16xf32>,
      }
      %scan3A_28 = arith.constant 40 : i32
      %mul3A_29 = arith.constant 640 : i32
      %mul3A_30 = arith.muli %arg1, %mul3A_29 : i32
      "tpu.region"() ({
        %run_scoped3A_42 = tpu.sem_alloc : memref<!tpu.dma_semaphore, #tpu.memory_space<semaphore_mem>>
        %dma_start3A = tpu.memref_slice %arg4[%mul3A_30] : memref<10240xf32, #tpu.memory_space<vmem_shared>> -> memref<640xf32, #tpu.memory_space<vmem_shared>>
        %dma_start3A_43 = tpu.memref_slice %arg4[%mul3A_30] : memref<10240xf32, #tpu.memory_space<vmem_shared>> -> memref<640xf32, #tpu.memory_space<vmem_shared>>
        tpu.enqueue_dma source(%run_scoped3A_2 : memref<640xf32, #tpu.memory_space<vmem>>) target(%dma_start3A_43 : memref<640xf32, #tpu.memory_space<vmem_shared>>) target_semaphore(%run_scoped3A_42 : memref<!tpu.dma_semaphore, #tpu.memory_space<semaphore_mem>>)
        %dma_wait3A = tpu.memref_slice %arg4[%mul3A_30] : memref<10240xf32, #tpu.memory_space<vmem_shared>> -> memref<640xf32, #tpu.memory_space<vmem_shared>>
        %dma_wait3A_44 = tpu.memref_slice %arg4[%mul3A_30] : memref<10240xf32, #tpu.memory_space<vmem_shared>> -> memref<640xf32, #tpu.memory_space<vmem_shared>>
        tpu.wait_dma2 semaphore(%run_scoped3A_42 : memref<!tpu.dma_semaphore, #tpu.memory_space<semaphore_mem>>) src(%run_scoped3A_2 : memref<640xf32, #tpu.memory_space<vmem>>) dst(%dma_wait3A_44 : memref<640xf32, #tpu.memory_space<vmem_shared>>)
        tpu.yield
      }) : () -> ()
      "tpu.region"() ({
        %run_scoped3A_42 = tpu.sem_alloc : memref<!tpu.dma_semaphore, #tpu.memory_space<semaphore_mem>>
        %dma_start3A = arith.constant 0 : i32
        %dma_start3A_43 = arith.constant 0 : i32
        %dma_start3A_44 = tpu.memref_slice %arg2[%add3A, %dma_start3A, %dma_start3A_43] : memref<32x125x80xi32, #tpu.memory_space<hbm>> -> memref<1x125x80xi32, #tpu.memory_space<hbm>>
        %dma_start3A_45 = tpu.memref_squeeze %dma_start3A_44 : memref<1x125x80xi32, #tpu.memory_space<hbm>> -> memref<125x80xi32, #tpu.memory_space<hbm>>
        %dma_start3A_46 = arith.constant 0 : i32
        %dma_start3A_47 = arith.constant 0 : i32
        %dma_start3A_48 = tpu.memref_slice %arg2[%add3A, %dma_start3A_46, %dma_start3A_47] : memref<32x125x80xi32, #tpu.memory_space<hbm>> -> memref<1x125x80xi32, #tpu.memory_space<hbm>>
        %dma_start3A_49 = tpu.memref_squeeze %dma_start3A_48 : memref<1x125x80xi32, #tpu.memory_space<hbm>> -> memref<125x80xi32, #tpu.memory_space<hbm>>
        tpu.enqueue_dma source(%dma_start3A_49 : memref<125x80xi32, #tpu.memory_space<hbm>>) target(%run_scoped3A : memref<125x80xi32, #tpu.memory_space<vmem>>) target_semaphore(%run_scoped3A_42 : memref<!tpu.dma_semaphore, #tpu.memory_space<semaphore_mem>>)
        %dma_wait3A = arith.constant 0 : i32
        %dma_wait3A_50 = arith.constant 0 : i32
        %dma_wait3A_51 = tpu.memref_slice %arg2[%add3A, %dma_wait3A, %dma_wait3A_50] : memref<32x125x80xi32, #tpu.memory_space<hbm>> -> memref<1x125x80xi32, #tpu.memory_space<hbm>>
        %dma_wait3A_52 = tpu.memref_squeeze %dma_wait3A_51 : memref<1x125x80xi32, #tpu.memory_space<hbm>> -> memref<125x80xi32, #tpu.memory_space<hbm>>
        %dma_wait3A_53 = arith.constant 0 : i32
        %dma_wait3A_54 = arith.constant 0 : i32
        %dma_wait3A_55 = tpu.memref_slice %arg2[%add3A, %dma_wait3A_53, %dma_wait3A_54] : memref<32x125x80xi32, #tpu.memory_space<hbm>> -> memref<1x125x80xi32, #tpu.memory_space<hbm>>
        %dma_wait3A_56 = tpu.memref_squeeze %dma_wait3A_55 : memref<1x125x80xi32, #tpu.memory_space<hbm>> -> memref<125x80xi32, #tpu.memory_space<hbm>>
        tpu.wait_dma2 semaphore(%run_scoped3A_42 : memref<!tpu.dma_semaphore, #tpu.memory_space<semaphore_mem>>) src(%dma_wait3A_56 : memref<125x80xi32, #tpu.memory_space<hbm>>) dst(%run_scoped3A : memref<125x80xi32, #tpu.memory_space<vmem>>)
        tpu.yield
      }) : () -> ()
      %barrier3A = arith.constant 0 : index
      tpu.barrier barrier_id(%barrier3A)
      %scan3A_31 = arith.constant 0 : i32
      %scan3A_32 = arith.constant 125 : i32
      %scan3A_33 = arith.addi %scan3A_31, %scan3A_32 : i32
      %scan3A_34 = arith.constant 1 : i32
      scf.for %scan3A_42 = %scan3A_31 to %scan3A_33 step %scan3A_34  : i32 {
        %mul3A_43 = arith.constant 1 : i32
        %mul3A_44 = arith.muli %scan3A_42, %mul3A_43 : i32
        %add3A_45 = arith.constant 0 : i32
        %add3A_46 = arith.addi %add3A_45, %mul3A_44 : i32
        "tpu.region"() ({
          %run_scoped3A_47 = tpu.sem_alloc : memref<!tpu.dma_semaphore, #tpu.memory_space<semaphore_mem>>
          %dma_start3A = arith.constant 0 : i32
          %dma_start3A_48 = tpu.memref_slice %run_scoped3A[%add3A_46, %dma_start3A] : memref<125x80xi32, #tpu.memory_space<vmem>> -> memref<1x80xi32, #tpu.memory_space<vmem>>
          %dma_start3A_49 = tpu.memref_squeeze %dma_start3A_48 : memref<1x80xi32, #tpu.memory_space<vmem>> -> memref<80xi32, #tpu.memory_space<vmem>>
          %dma_start3A_50 = arith.constant 0 : i32
          %dma_start3A_51 = tpu.memref_slice %arg4[%dma_start3A_50] : memref<10240xf32, #tpu.memory_space<vmem_shared>> -> memref<10240xf32, #tpu.memory_space<vmem_shared>>
          tpu.enqueue_indirect_dma source(%run_scoped3A_1 : memref<80xf32, #tpu.memory_space<vmem>>) target(%dma_start3A_51 : memref<10240xf32, #tpu.memory_space<vmem_shared>>) offsets(%dma_start3A_49 : memref<80xi32, #tpu.memory_space<vmem>>) semaphore(%run_scoped3A_47 : memref<!tpu.dma_semaphore, #tpu.memory_space<semaphore_mem>>) {add = true}
          %dma_wait3A = arith.constant 0 : i32
          %dma_wait3A_52 = tpu.memref_slice %run_scoped3A[%add3A_46, %dma_wait3A] : memref<125x80xi32, #tpu.memory_space<vmem>> -> memref<1x80xi32, #tpu.memory_space<vmem>>
          %dma_wait3A_53 = tpu.memref_squeeze %dma_wait3A_52 : memref<1x80xi32, #tpu.memory_space<vmem>> -> memref<80xi32, #tpu.memory_space<vmem>>
          %dma_wait3A_54 = arith.constant 0 : i32
          %dma_wait3A_55 = tpu.memref_slice %arg4[%dma_wait3A_54] : memref<10240xf32, #tpu.memory_space<vmem_shared>> -> memref<10240xf32, #tpu.memory_space<vmem_shared>>
          tpu.wait_indirect_dma semaphore(%run_scoped3A_47 : memref<!tpu.dma_semaphore, #tpu.memory_space<semaphore_mem>>) src(%run_scoped3A_1 : memref<80xf32, #tpu.memory_space<vmem>>) dst(%dma_wait3A_55 : memref<10240xf32, #tpu.memory_space<vmem_shared>>)
          tpu.yield
        }) : () -> ()
      }
      %scan3A_35 = arith.constant 125 : i32
      %barrier3A_36 = arith.constant 0 : index
      tpu.barrier barrier_id(%barrier3A_36)
      %mul3A_37 = arith.constant 640 : i32
      %mul3A_38 = arith.muli %arg1, %mul3A_37 : i32
      %mul3A_39 = arith.constant 640 : i32
      %mul3A_40 = arith.muli %arg1, %mul3A_39 : i32
      %run_scoped3A_41 = arith.constant 0 : i32
      "tpu.region"() ({
        %run_scoped3A_42 = tpu.sem_alloc : memref<!tpu.dma_semaphore, #tpu.memory_space<semaphore_mem>>
        %dma_start3A = tpu.memref_slice %arg3[%arg0, %run_scoped3A_41, %mul3A_40] : memref<2x1x10240xf32, #tpu.memory_space<hbm>> -> memref<1x1x640xf32, #tpu.memory_space<hbm>>
        %dma_start3A_43 = tpu.memref_squeeze %dma_start3A : memref<1x1x640xf32, #tpu.memory_space<hbm>> -> memref<640xf32, #tpu.memory_space<hbm>>
        %dma_start3A_44 = tpu.memref_slice %arg4[%mul3A_38] : memref<10240xf32, #tpu.memory_space<vmem_shared>> -> memref<640xf32, #tpu.memory_space<vmem_shared>>
        tpu.enqueue_dma source(%dma_start3A_44 : memref<640xf32, #tpu.memory_space<vmem_shared>>) target(%dma_start3A_43 : memref<640xf32, #tpu.memory_space<hbm>>) target_semaphore(%run_scoped3A_42 : memref<!tpu.dma_semaphore, #tpu.memory_space<semaphore_mem>>)
        %dma_wait3A = tpu.memref_slice %arg3[%arg0, %run_scoped3A_41, %mul3A_40] : memref<2x1x10240xf32, #tpu.memory_space<hbm>> -> memref<1x1x640xf32, #tpu.memory_space<hbm>>
        %dma_wait3A_45 = tpu.memref_squeeze %dma_wait3A : memref<1x1x640xf32, #tpu.memory_space<hbm>> -> memref<640xf32, #tpu.memory_space<hbm>>
        %dma_wait3A_46 = tpu.memref_slice %arg4[%mul3A_38] : memref<10240xf32, #tpu.memory_space<vmem_shared>> -> memref<640xf32, #tpu.memory_space<vmem_shared>>
        tpu.wait_dma2 semaphore(%run_scoped3A_42 : memref<!tpu.dma_semaphore, #tpu.memory_space<semaphore_mem>>) src(%dma_wait3A_46 : memref<640xf32, #tpu.memory_space<vmem_shared>>) dst(%dma_wait3A_45 : memref<640xf32, #tpu.memory_space<hbm>>)
        tpu.yield
      }) : () -> ()
      tpu.yield
    }) : () -> ()
    return
  }
}

#map = affine_map<(d0, d1) -> (0, 0)>
#map1 = affine_map<(d0, d1) -> (0, 0, 0)>
module attributes {stable_mosaic.version = 14 : i64} {
  func.func @edge_pass(%arg0: i32, %arg1: i32, %arg2: memref<10000x128xf32, #tpu.memory_space<hbm>>, %arg3: memref<32x125x80xi32, #tpu.memory_space<hbm>>, %arg4: memref<32x125x80xi32, #tpu.memory_space<hbm>>, %arg5: memref<2x10240x128xf32, #tpu.memory_space<hbm>>, %arg6: memref<10240x128xf32, #tpu.memory_space<vmem_shared>>) attributes {dimension_semantics = [#tpu.dimension_semantics<core_parallel>, #tpu.dimension_semantics<subcore_parallel>], iteration_bounds = array<i64: 2, 16>, scalar_prefetch = 0 : i64, scratch_operands = 1 : i64, tpu.core_type = #tpu.core_type<sc_vector_subcore>, window_params = [{transform_indices = #map}, {transform_indices = #map1}, {transform_indices = #map1}, {transform_indices = #map1}]} {
    %mul3A = arith.constant 2 : i32
    %mul3A_0 = arith.muli %arg1, %mul3A : i32
    %add3A = arith.addi %mul3A_0, %arg0 : i32
    "tpu.region"() ({
      %run_scoped3A = memref.alloca() : memref<125x80xi32, #tpu.memory_space<vmem>>
      %run_scoped3A_1 = memref.alloca() : memref<125x80xi32, #tpu.memory_space<vmem>>
      %run_scoped3A_2 = memref.alloca() : memref<80x128xf32, #tpu.memory_space<vmem>>
      %run_scoped3A_3 = tpu.sem_alloc : memref<!tpu.dma_semaphore, #tpu.memory_space<semaphore_mem>>
      %broadcast_in_dim3A = arith.constant 0.000000e+00 : f32
      %broadcast_in_dim3A_4 = vector.broadcast %broadcast_in_dim3A : f32 to vector<16xf32>
      %scan3A = arith.constant 0 : i32
      %scan3A_5 = arith.constant 80 : i32
      %scan3A_6 = arith.addi %scan3A, %scan3A_5 : i32
      %scan3A_7 = arith.constant 1 : i32
      scf.for %scan3A_51 = %scan3A to %scan3A_6 step %scan3A_7  : i32 {
        %mul3A_52 = arith.constant 1 : i32
        %mul3A_53 = arith.muli %scan3A_51, %mul3A_52 : i32
        %add3A_54 = arith.constant 0 : i32
        %add3A_55 = arith.addi %add3A_54, %mul3A_53 : i32
        %swap3A = arith.index_cast %add3A_55 : i32 to index
        %swap3A_56 = arith.constant 0 : index
        %swap3A_57 = tpu.vector_load %run_scoped3A_2[%swap3A, %swap3A_56] {strides = array<i32>} : memref<80x128xf32, #tpu.memory_space<vmem>>, vector<1x16xf32>,
        %swap3A_58 = vector.shape_cast %swap3A_57 : vector<1x16xf32> to vector<16xf32>
        %swap3A_59 = vector.shape_cast %broadcast_in_dim3A_4 : vector<16xf32> to vector<1x16xf32>
        tpu.vector_store %run_scoped3A_2[%swap3A, %swap3A_56], %swap3A_59 {strides = array<i32>} : memref<80x128xf32, #tpu.memory_space<vmem>>, vector<1x16xf32>,
        %swap3A_60 = arith.index_cast %add3A_55 : i32 to index
        %swap3A_61 = arith.constant 16 : index
        %swap3A_62 = tpu.vector_load %run_scoped3A_2[%swap3A_60, %swap3A_61] {strides = array<i32>} : memref<80x128xf32, #tpu.memory_space<vmem>>, vector<1x16xf32>,
        %swap3A_63 = vector.shape_cast %swap3A_62 : vector<1x16xf32> to vector<16xf32>
        %swap3A_64 = vector.shape_cast %broadcast_in_dim3A_4 : vector<16xf32> to vector<1x16xf32>
        tpu.vector_store %run_scoped3A_2[%swap3A_60, %swap3A_61], %swap3A_64 {strides = array<i32>} : memref<80x128xf32, #tpu.memory_space<vmem>>, vector<1x16xf32>,
        %swap3A_65 = arith.index_cast %add3A_55 : i32 to index
        %swap3A_66 = arith.constant 32 : index
        %swap3A_67 = tpu.vector_load %run_scoped3A_2[%swap3A_65, %swap3A_66] {strides = array<i32>} : memref<80x128xf32, #tpu.memory_space<vmem>>, vector<1x16xf32>,
        %swap3A_68 = vector.shape_cast %swap3A_67 : vector<1x16xf32> to vector<16xf32>
        %swap3A_69 = vector.shape_cast %broadcast_in_dim3A_4 : vector<16xf32> to vector<1x16xf32>
        tpu.vector_store %run_scoped3A_2[%swap3A_65, %swap3A_66], %swap3A_69 {strides = array<i32>} : memref<80x128xf32, #tpu.memory_space<vmem>>, vector<1x16xf32>,
        %swap3A_70 = arith.index_cast %add3A_55 : i32 to index
        %swap3A_71 = arith.constant 48 : index
        %swap3A_72 = tpu.vector_load %run_scoped3A_2[%swap3A_70, %swap3A_71] {strides = array<i32>} : memref<80x128xf32, #tpu.memory_space<vmem>>, vector<1x16xf32>,
        %swap3A_73 = vector.shape_cast %swap3A_72 : vector<1x16xf32> to vector<16xf32>
        %swap3A_74 = vector.shape_cast %broadcast_in_dim3A_4 : vector<16xf32> to vector<1x16xf32>
        tpu.vector_store %run_scoped3A_2[%swap3A_70, %swap3A_71], %swap3A_74 {strides = array<i32>} : memref<80x128xf32, #tpu.memory_space<vmem>>, vector<1x16xf32>,
        %swap3A_75 = arith.index_cast %add3A_55 : i32 to index
        %swap3A_76 = arith.constant 64 : index
        %swap3A_77 = tpu.vector_load %run_scoped3A_2[%swap3A_75, %swap3A_76] {strides = array<i32>} : memref<80x128xf32, #tpu.memory_space<vmem>>, vector<1x16xf32>,
        %swap3A_78 = vector.shape_cast %swap3A_77 : vector<1x16xf32> to vector<16xf32>
        %swap3A_79 = vector.shape_cast %broadcast_in_dim3A_4 : vector<16xf32> to vector<1x16xf32>
        tpu.vector_store %run_scoped3A_2[%swap3A_75, %swap3A_76], %swap3A_79 {strides = array<i32>} : memref<80x128xf32, #tpu.memory_space<vmem>>, vector<1x16xf32>,
        %swap3A_80 = arith.index_cast %add3A_55 : i32 to index
        %swap3A_81 = arith.constant 80 : index
        %swap3A_82 = tpu.vector_load %run_scoped3A_2[%swap3A_80, %swap3A_81] {strides = array<i32>} : memref<80x128xf32, #tpu.memory_space<vmem>>, vector<1x16xf32>,
        %swap3A_83 = vector.shape_cast %swap3A_82 : vector<1x16xf32> to vector<16xf32>
        %swap3A_84 = vector.shape_cast %broadcast_in_dim3A_4 : vector<16xf32> to vector<1x16xf32>
        tpu.vector_store %run_scoped3A_2[%swap3A_80, %swap3A_81], %swap3A_84 {strides = array<i32>} : memref<80x128xf32, #tpu.memory_space<vmem>>, vector<1x16xf32>,
        %swap3A_85 = arith.index_cast %add3A_55 : i32 to index
        %swap3A_86 = arith.constant 96 : index
        %swap3A_87 = tpu.vector_load %run_scoped3A_2[%swap3A_85, %swap3A_86] {strides = array<i32>} : memref<80x128xf32, #tpu.memory_space<vmem>>, vector<1x16xf32>,
        %swap3A_88 = vector.shape_cast %swap3A_87 : vector<1x16xf32> to vector<16xf32>
        %swap3A_89 = vector.shape_cast %broadcast_in_dim3A_4 : vector<16xf32> to vector<1x16xf32>
        tpu.vector_store %run_scoped3A_2[%swap3A_85, %swap3A_86], %swap3A_89 {strides = array<i32>} : memref<80x128xf32, #tpu.memory_space<vmem>>, vector<1x16xf32>,
        %swap3A_90 = arith.index_cast %add3A_55 : i32 to index
        %swap3A_91 = arith.constant 112 : index
        %swap3A_92 = tpu.vector_load %run_scoped3A_2[%swap3A_90, %swap3A_91] {strides = array<i32>} : memref<80x128xf32, #tpu.memory_space<vmem>>, vector<1x16xf32>,
        %swap3A_93 = vector.shape_cast %swap3A_92 : vector<1x16xf32> to vector<16xf32>
        %swap3A_94 = vector.shape_cast %broadcast_in_dim3A_4 : vector<16xf32> to vector<1x16xf32>
        tpu.vector_store %run_scoped3A_2[%swap3A_90, %swap3A_91], %swap3A_94 {strides = array<i32>} : memref<80x128xf32, #tpu.memory_space<vmem>>, vector<1x16xf32>,
      }
      %scan3A_8 = arith.constant 80 : i32
      %mul3A_9 = arith.constant 640 : i32
      %mul3A_10 = arith.muli %arg1, %mul3A_9 : i32
      %add3A_11 = arith.constant 0 : i32
      %add3A_12 = arith.addi %mul3A_10, %add3A_11 : i32
      "tpu.region"() ({
        %run_scoped3A_51 = tpu.sem_alloc : memref<!tpu.dma_semaphore, #tpu.memory_space<semaphore_mem>>
        %dma_start3A = arith.constant 0 : i32
        %dma_start3A_52 = tpu.memref_slice %arg6[%add3A_12, %dma_start3A] : memref<10240x128xf32, #tpu.memory_space<vmem_shared>> -> memref<80x128xf32, #tpu.memory_space<vmem_shared>>
        %dma_start3A_53 = arith.constant 0 : i32
        %dma_start3A_54 = tpu.memref_slice %arg6[%add3A_12, %dma_start3A_53] : memref<10240x128xf32, #tpu.memory_space<vmem_shared>> -> memref<80x128xf32, #tpu.memory_space<vmem_shared>>
        tpu.enqueue_dma source(%run_scoped3A_2 : memref<80x128xf32, #tpu.memory_space<vmem>>) target(%dma_start3A_54 : memref<80x128xf32, #tpu.memory_space<vmem_shared>>) target_semaphore(%run_scoped3A_51 : memref<!tpu.dma_semaphore, #tpu.memory_space<semaphore_mem>>)
        %dma_wait3A = arith.constant 0 : i32
        %dma_wait3A_55 = tpu.memref_slice %arg6[%add3A_12, %dma_wait3A] : memref<10240x128xf32, #tpu.memory_space<vmem_shared>> -> memref<80x128xf32, #tpu.memory_space<vmem_shared>>
        %dma_wait3A_56 = arith.constant 0 : i32
        %dma_wait3A_57 = tpu.memref_slice %arg6[%add3A_12, %dma_wait3A_56] : memref<10240x128xf32, #tpu.memory_space<vmem_shared>> -> memref<80x128xf32, #tpu.memory_space<vmem_shared>>
        tpu.wait_dma2 semaphore(%run_scoped3A_51 : memref<!tpu.dma_semaphore, #tpu.memory_space<semaphore_mem>>) src(%run_scoped3A_2 : memref<80x128xf32, #tpu.memory_space<vmem>>) dst(%dma_wait3A_57 : memref<80x128xf32, #tpu.memory_space<vmem_shared>>)
        tpu.yield
      }) : () -> ()
      %mul3A_13 = arith.constant 640 : i32
      %mul3A_14 = arith.muli %arg1, %mul3A_13 : i32
      %add3A_15 = arith.constant 80 : i32
      %add3A_16 = arith.addi %mul3A_14, %add3A_15 : i32
      "tpu.region"() ({
        %run_scoped3A_51 = tpu.sem_alloc : memref<!tpu.dma_semaphore, #tpu.memory_space<semaphore_mem>>
        %dma_start3A = arith.constant 0 : i32
        %dma_start3A_52 = tpu.memref_slice %arg6[%add3A_16, %dma_start3A] : memref<10240x128xf32, #tpu.memory_space<vmem_shared>> -> memref<80x128xf32, #tpu.memory_space<vmem_shared>>
        %dma_start3A_53 = arith.constant 0 : i32
        %dma_start3A_54 = tpu.memref_slice %arg6[%add3A_16, %dma_start3A_53] : memref<10240x128xf32, #tpu.memory_space<vmem_shared>> -> memref<80x128xf32, #tpu.memory_space<vmem_shared>>
        tpu.enqueue_dma source(%run_scoped3A_2 : memref<80x128xf32, #tpu.memory_space<vmem>>) target(%dma_start3A_54 : memref<80x128xf32, #tpu.memory_space<vmem_shared>>) target_semaphore(%run_scoped3A_51 : memref<!tpu.dma_semaphore, #tpu.memory_space<semaphore_mem>>)
        %dma_wait3A = arith.constant 0 : i32
        %dma_wait3A_55 = tpu.memref_slice %arg6[%add3A_16, %dma_wait3A] : memref<10240x128xf32, #tpu.memory_space<vmem_shared>> -> memref<80x128xf32, #tpu.memory_space<vmem_shared>>
        %dma_wait3A_56 = arith.constant 0 : i32
        %dma_wait3A_57 = tpu.memref_slice %arg6[%add3A_16, %dma_wait3A_56] : memref<10240x128xf32, #tpu.memory_space<vmem_shared>> -> memref<80x128xf32, #tpu.memory_space<vmem_shared>>
        tpu.wait_dma2 semaphore(%run_scoped3A_51 : memref<!tpu.dma_semaphore, #tpu.memory_space<semaphore_mem>>) src(%run_scoped3A_2 : memref<80x128xf32, #tpu.memory_space<vmem>>) dst(%dma_wait3A_57 : memref<80x128xf32, #tpu.memory_space<vmem_shared>>)
        tpu.yield
      }) : () -> ()
      %mul3A_17 = arith.constant 640 : i32
      %mul3A_18 = arith.muli %arg1, %mul3A_17 : i32
      %add3A_19 = arith.constant 160 : i32
      %add3A_20 = arith.addi %mul3A_18, %add3A_19 : i32
      "tpu.region"() ({
        %run_scoped3A_51 = tpu.sem_alloc : memref<!tpu.dma_semaphore, #tpu.memory_space<semaphore_mem>>
        %dma_start3A = arith.constant 0 : i32
        %dma_start3A_52 = tpu.memref_slice %arg6[%add3A_20, %dma_start3A] : memref<10240x128xf32, #tpu.memory_space<vmem_shared>> -> memref<80x128xf32, #tpu.memory_space<vmem_shared>>
        %dma_start3A_53 = arith.constant 0 : i32
        %dma_start3A_54 = tpu.memref_slice %arg6[%add3A_20, %dma_start3A_53] : memref<10240x128xf32, #tpu.memory_space<vmem_shared>> -> memref<80x128xf32, #tpu.memory_space<vmem_shared>>
        tpu.enqueue_dma source(%run_scoped3A_2 : memref<80x128xf32, #tpu.memory_space<vmem>>) target(%dma_start3A_54 : memref<80x128xf32, #tpu.memory_space<vmem_shared>>) target_semaphore(%run_scoped3A_51 : memref<!tpu.dma_semaphore, #tpu.memory_space<semaphore_mem>>)
        %dma_wait3A = arith.constant 0 : i32
        %dma_wait3A_55 = tpu.memref_slice %arg6[%add3A_20, %dma_wait3A] : memref<10240x128xf32, #tpu.memory_space<vmem_shared>> -> memref<80x128xf32, #tpu.memory_space<vmem_shared>>
        %dma_wait3A_56 = arith.constant 0 : i32
        %dma_wait3A_57 = tpu.memref_slice %arg6[%add3A_20, %dma_wait3A_56] : memref<10240x128xf32, #tpu.memory_space<vmem_shared>> -> memref<80x128xf32, #tpu.memory_space<vmem_shared>>
        tpu.wait_dma2 semaphore(%run_scoped3A_51 : memref<!tpu.dma_semaphore, #tpu.memory_space<semaphore_mem>>) src(%run_scoped3A_2 : memref<80x128xf32, #tpu.memory_space<vmem>>) dst(%dma_wait3A_57 : memref<80x128xf32, #tpu.memory_space<vmem_shared>>)
        tpu.yield
      }) : () -> ()
      %mul3A_21 = arith.constant 640 : i32
      %mul3A_22 = arith.muli %arg1, %mul3A_21 : i32
      %add3A_23 = arith.constant 240 : i32
      %add3A_24 = arith.addi %mul3A_22, %add3A_23 : i32
      "tpu.region"() ({
        %run_scoped3A_51 = tpu.sem_alloc : memref<!tpu.dma_semaphore, #tpu.memory_space<semaphore_mem>>
        %dma_start3A = arith.constant 0 : i32
        %dma_start3A_52 = tpu.memref_slice %arg6[%add3A_24, %dma_start3A] : memref<10240x128xf32, #tpu.memory_space<vmem_shared>> -> memref<80x128xf32, #tpu.memory_space<vmem_shared>>
        %dma_start3A_53 = arith.constant 0 : i32
        %dma_start3A_54 = tpu.memref_slice %arg6[%add3A_24, %dma_start3A_53] : memref<10240x128xf32, #tpu.memory_space<vmem_shared>> -> memref<80x128xf32, #tpu.memory_space<vmem_shared>>
        tpu.enqueue_dma source(%run_scoped3A_2 : memref<80x128xf32, #tpu.memory_space<vmem>>) target(%dma_start3A_54 : memref<80x128xf32, #tpu.memory_space<vmem_shared>>) target_semaphore(%run_scoped3A_51 : memref<!tpu.dma_semaphore, #tpu.memory_space<semaphore_mem>>)
        %dma_wait3A = arith.constant 0 : i32
        %dma_wait3A_55 = tpu.memref_slice %arg6[%add3A_24, %dma_wait3A] : memref<10240x128xf32, #tpu.memory_space<vmem_shared>> -> memref<80x128xf32, #tpu.memory_space<vmem_shared>>
        %dma_wait3A_56 = arith.constant 0 : i32
        %dma_wait3A_57 = tpu.memref_slice %arg6[%add3A_24, %dma_wait3A_56] : memref<10240x128xf32, #tpu.memory_space<vmem_shared>> -> memref<80x128xf32, #tpu.memory_space<vmem_shared>>
        tpu.wait_dma2 semaphore(%run_scoped3A_51 : memref<!tpu.dma_semaphore, #tpu.memory_space<semaphore_mem>>) src(%run_scoped3A_2 : memref<80x128xf32, #tpu.memory_space<vmem>>) dst(%dma_wait3A_57 : memref<80x128xf32, #tpu.memory_space<vmem_shared>>)
        tpu.yield
      }) : () -> ()
      %mul3A_25 = arith.constant 640 : i32
      %mul3A_26 = arith.muli %arg1, %mul3A_25 : i32
      %add3A_27 = arith.constant 320 : i32
      %add3A_28 = arith.addi %mul3A_26, %add3A_27 : i32
      "tpu.region"() ({
        %run_scoped3A_51 = tpu.sem_alloc : memref<!tpu.dma_semaphore, #tpu.memory_space<semaphore_mem>>
        %dma_start3A = arith.constant 0 : i32
        %dma_start3A_52 = tpu.memref_slice %arg6[%add3A_28, %dma_start3A] : memref<10240x128xf32, #tpu.memory_space<vmem_shared>> -> memref<80x128xf32, #tpu.memory_space<vmem_shared>>
        %dma_start3A_53 = arith.constant 0 : i32
        %dma_start3A_54 = tpu.memref_slice %arg6[%add3A_28, %dma_start3A_53] : memref<10240x128xf32, #tpu.memory_space<vmem_shared>> -> memref<80x128xf32, #tpu.memory_space<vmem_shared>>
        tpu.enqueue_dma source(%run_scoped3A_2 : memref<80x128xf32, #tpu.memory_space<vmem>>) target(%dma_start3A_54 : memref<80x128xf32, #tpu.memory_space<vmem_shared>>) target_semaphore(%run_scoped3A_51 : memref<!tpu.dma_semaphore, #tpu.memory_space<semaphore_mem>>)
        %dma_wait3A = arith.constant 0 : i32
        %dma_wait3A_55 = tpu.memref_slice %arg6[%add3A_28, %dma_wait3A] : memref<10240x128xf32, #tpu.memory_space<vmem_shared>> -> memref<80x128xf32, #tpu.memory_space<vmem_shared>>
        %dma_wait3A_56 = arith.constant 0 : i32
        %dma_wait3A_57 = tpu.memref_slice %arg6[%add3A_28, %dma_wait3A_56] : memref<10240x128xf32, #tpu.memory_space<vmem_shared>> -> memref<80x128xf32, #tpu.memory_space<vmem_shared>>
        tpu.wait_dma2 semaphore(%run_scoped3A_51 : memref<!tpu.dma_semaphore, #tpu.memory_space<semaphore_mem>>) src(%run_scoped3A_2 : memref<80x128xf32, #tpu.memory_space<vmem>>) dst(%dma_wait3A_57 : memref<80x128xf32, #tpu.memory_space<vmem_shared>>)
        tpu.yield
      }) : () -> ()
      %mul3A_29 = arith.constant 640 : i32
      %mul3A_30 = arith.muli %arg1, %mul3A_29 : i32
      %add3A_31 = arith.constant 400 : i32
      %add3A_32 = arith.addi %mul3A_30, %add3A_31 : i32
      "tpu.region"() ({
        %run_scoped3A_51 = tpu.sem_alloc : memref<!tpu.dma_semaphore, #tpu.memory_space<semaphore_mem>>
        %dma_start3A = arith.constant 0 : i32
        %dma_start3A_52 = tpu.memref_slice %arg6[%add3A_32, %dma_start3A] : memref<10240x128xf32, #tpu.memory_space<vmem_shared>> -> memref<80x128xf32, #tpu.memory_space<vmem_shared>>
        %dma_start3A_53 = arith.constant 0 : i32
        %dma_start3A_54 = tpu.memref_slice %arg6[%add3A_32, %dma_start3A_53] : memref<10240x128xf32, #tpu.memory_space<vmem_shared>> -> memref<80x128xf32, #tpu.memory_space<vmem_shared>>
        tpu.enqueue_dma source(%run_scoped3A_2 : memref<80x128xf32, #tpu.memory_space<vmem>>) target(%dma_start3A_54 : memref<80x128xf32, #tpu.memory_space<vmem_shared>>) target_semaphore(%run_scoped3A_51 : memref<!tpu.dma_semaphore, #tpu.memory_space<semaphore_mem>>)
        %dma_wait3A = arith.constant 0 : i32
        %dma_wait3A_55 = tpu.memref_slice %arg6[%add3A_32, %dma_wait3A] : memref<10240x128xf32, #tpu.memory_space<vmem_shared>> -> memref<80x128xf32, #tpu.memory_space<vmem_shared>>
        %dma_wait3A_56 = arith.constant 0 : i32
        %dma_wait3A_57 = tpu.memref_slice %arg6[%add3A_32, %dma_wait3A_56] : memref<10240x128xf32, #tpu.memory_space<vmem_shared>> -> memref<80x128xf32, #tpu.memory_space<vmem_shared>>
        tpu.wait_dma2 semaphore(%run_scoped3A_51 : memref<!tpu.dma_semaphore, #tpu.memory_space<semaphore_mem>>) src(%run_scoped3A_2 : memref<80x128xf32, #tpu.memory_space<vmem>>) dst(%dma_wait3A_57 : memref<80x128xf32, #tpu.memory_space<vmem_shared>>)
        tpu.yield
      }) : () -> ()
      %mul3A_33 = arith.constant 640 : i32
      %mul3A_34 = arith.muli %arg1, %mul3A_33 : i32
      %add3A_35 = arith.constant 480 : i32
      %add3A_36 = arith.addi %mul3A_34, %add3A_35 : i32
      "tpu.region"() ({
        %run_scoped3A_51 = tpu.sem_alloc : memref<!tpu.dma_semaphore, #tpu.memory_space<semaphore_mem>>
        %dma_start3A = arith.constant 0 : i32
        %dma_start3A_52 = tpu.memref_slice %arg6[%add3A_36, %dma_start3A] : memref<10240x128xf32, #tpu.memory_space<vmem_shared>> -> memref<80x128xf32, #tpu.memory_space<vmem_shared>>
        %dma_start3A_53 = arith.constant 0 : i32
        %dma_start3A_54 = tpu.memref_slice %arg6[%add3A_36, %dma_start3A_53] : memref<10240x128xf32, #tpu.memory_space<vmem_shared>> -> memref<80x128xf32, #tpu.memory_space<vmem_shared>>
        tpu.enqueue_dma source(%run_scoped3A_2 : memref<80x128xf32, #tpu.memory_space<vmem>>) target(%dma_start3A_54 : memref<80x128xf32, #tpu.memory_space<vmem_shared>>) target_semaphore(%run_scoped3A_51 : memref<!tpu.dma_semaphore, #tpu.memory_space<semaphore_mem>>)
        %dma_wait3A = arith.constant 0 : i32
        %dma_wait3A_55 = tpu.memref_slice %arg6[%add3A_36, %dma_wait3A] : memref<10240x128xf32, #tpu.memory_space<vmem_shared>> -> memref<80x128xf32, #tpu.memory_space<vmem_shared>>
        %dma_wait3A_56 = arith.constant 0 : i32
        %dma_wait3A_57 = tpu.memref_slice %arg6[%add3A_36, %dma_wait3A_56] : memref<10240x128xf32, #tpu.memory_space<vmem_shared>> -> memref<80x128xf32, #tpu.memory_space<vmem_shared>>
        tpu.wait_dma2 semaphore(%run_scoped3A_51 : memref<!tpu.dma_semaphore, #tpu.memory_space<semaphore_mem>>) src(%run_scoped3A_2 : memref<80x128xf32, #tpu.memory_space<vmem>>) dst(%dma_wait3A_57 : memref<80x128xf32, #tpu.memory_space<vmem_shared>>)
        tpu.yield
      }) : () -> ()
      %mul3A_37 = arith.constant 640 : i32
      %mul3A_38 = arith.muli %arg1, %mul3A_37 : i32
      %add3A_39 = arith.constant 560 : i32
      %add3A_40 = arith.addi %mul3A_38, %add3A_39 : i32
      "tpu.region"() ({
        %run_scoped3A_51 = tpu.sem_alloc : memref<!tpu.dma_semaphore, #tpu.memory_space<semaphore_mem>>
        %dma_start3A = arith.constant 0 : i32
        %dma_start3A_52 = tpu.memref_slice %arg6[%add3A_40, %dma_start3A] : memref<10240x128xf32, #tpu.memory_space<vmem_shared>> -> memref<80x128xf32, #tpu.memory_space<vmem_shared>>
        %dma_start3A_53 = arith.constant 0 : i32
        %dma_start3A_54 = tpu.memref_slice %arg6[%add3A_40, %dma_start3A_53] : memref<10240x128xf32, #tpu.memory_space<vmem_shared>> -> memref<80x128xf32, #tpu.memory_space<vmem_shared>>
        tpu.enqueue_dma source(%run_scoped3A_2 : memref<80x128xf32, #tpu.memory_space<vmem>>) target(%dma_start3A_54 : memref<80x128xf32, #tpu.memory_space<vmem_shared>>) target_semaphore(%run_scoped3A_51 : memref<!tpu.dma_semaphore, #tpu.memory_space<semaphore_mem>>)
        %dma_wait3A = arith.constant 0 : i32
        %dma_wait3A_55 = tpu.memref_slice %arg6[%add3A_40, %dma_wait3A] : memref<10240x128xf32, #tpu.memory_space<vmem_shared>> -> memref<80x128xf32, #tpu.memory_space<vmem_shared>>
        %dma_wait3A_56 = arith.constant 0 : i32
        %dma_wait3A_57 = tpu.memref_slice %arg6[%add3A_40, %dma_wait3A_56] : memref<10240x128xf32, #tpu.memory_space<vmem_shared>> -> memref<80x128xf32, #tpu.memory_space<vmem_shared>>
        tpu.wait_dma2 semaphore(%run_scoped3A_51 : memref<!tpu.dma_semaphore, #tpu.memory_space<semaphore_mem>>) src(%run_scoped3A_2 : memref<80x128xf32, #tpu.memory_space<vmem>>) dst(%dma_wait3A_57 : memref<80x128xf32, #tpu.memory_space<vmem_shared>>)
        tpu.yield
      }) : () -> ()
      "tpu.region"() ({
        %run_scoped3A_51 = tpu.sem_alloc : memref<!tpu.dma_semaphore, #tpu.memory_space<semaphore_mem>>
        %dma_start3A = arith.constant 0 : i32
        %dma_start3A_52 = arith.constant 0 : i32
        %dma_start3A_53 = tpu.memref_slice %arg3[%add3A, %dma_start3A, %dma_start3A_52] : memref<32x125x80xi32, #tpu.memory_space<hbm>> -> memref<1x125x80xi32, #tpu.memory_space<hbm>>
        %dma_start3A_54 = tpu.memref_squeeze %dma_start3A_53 : memref<1x125x80xi32, #tpu.memory_space<hbm>> -> memref<125x80xi32, #tpu.memory_space<hbm>>
        %dma_start3A_55 = arith.constant 0 : i32
        %dma_start3A_56 = arith.constant 0 : i32
        %dma_start3A_57 = tpu.memref_slice %arg3[%add3A, %dma_start3A_55, %dma_start3A_56] : memref<32x125x80xi32, #tpu.memory_space<hbm>> -> memref<1x125x80xi32, #tpu.memory_space<hbm>>
        %dma_start3A_58 = tpu.memref_squeeze %dma_start3A_57 : memref<1x125x80xi32, #tpu.memory_space<hbm>> -> memref<125x80xi32, #tpu.memory_space<hbm>>
        tpu.enqueue_dma source(%dma_start3A_58 : memref<125x80xi32, #tpu.memory_space<hbm>>) target(%run_scoped3A : memref<125x80xi32, #tpu.memory_space<vmem>>) target_semaphore(%run_scoped3A_51 : memref<!tpu.dma_semaphore, #tpu.memory_space<semaphore_mem>>)
        %dma_wait3A = arith.constant 0 : i32
        %dma_wait3A_59 = arith.constant 0 : i32
        %dma_wait3A_60 = tpu.memref_slice %arg3[%add3A, %dma_wait3A, %dma_wait3A_59] : memref<32x125x80xi32, #tpu.memory_space<hbm>> -> memref<1x125x80xi32, #tpu.memory_space<hbm>>
        %dma_wait3A_61 = tpu.memref_squeeze %dma_wait3A_60 : memref<1x125x80xi32, #tpu.memory_space<hbm>> -> memref<125x80xi32, #tpu.memory_space<hbm>>
        %dma_wait3A_62 = arith.constant 0 : i32
        %dma_wait3A_63 = arith.constant 0 : i32
        %dma_wait3A_64 = tpu.memref_slice %arg3[%add3A, %dma_wait3A_62, %dma_wait3A_63] : memref<32x125x80xi32, #tpu.memory_space<hbm>> -> memref<1x125x80xi32, #tpu.memory_space<hbm>>
        %dma_wait3A_65 = tpu.memref_squeeze %dma_wait3A_64 : memref<1x125x80xi32, #tpu.memory_space<hbm>> -> memref<125x80xi32, #tpu.memory_space<hbm>>
        tpu.wait_dma2 semaphore(%run_scoped3A_51 : memref<!tpu.dma_semaphore, #tpu.memory_space<semaphore_mem>>) src(%dma_wait3A_65 : memref<125x80xi32, #tpu.memory_space<hbm>>) dst(%run_scoped3A : memref<125x80xi32, #tpu.memory_space<vmem>>)
        tpu.yield
      }) : () -> ()
      "tpu.region"() ({
        %run_scoped3A_51 = tpu.sem_alloc : memref<!tpu.dma_semaphore, #tpu.memory_space<semaphore_mem>>
        %dma_start3A = arith.constant 0 : i32
        %dma_start3A_52 = arith.constant 0 : i32
        %dma_start3A_53 = tpu.memref_slice %arg4[%add3A, %dma_start3A, %dma_start3A_52] : memref<32x125x80xi32, #tpu.memory_space<hbm>> -> memref<1x125x80xi32, #tpu.memory_space<hbm>>
        %dma_start3A_54 = tpu.memref_squeeze %dma_start3A_53 : memref<1x125x80xi32, #tpu.memory_space<hbm>> -> memref<125x80xi32, #tpu.memory_space<hbm>>
        %dma_start3A_55 = arith.constant 0 : i32
        %dma_start3A_56 = arith.constant 0 : i32
        %dma_start3A_57 = tpu.memref_slice %arg4[%add3A, %dma_start3A_55, %dma_start3A_56] : memref<32x125x80xi32, #tpu.memory_space<hbm>> -> memref<1x125x80xi32, #tpu.memory_space<hbm>>
        %dma_start3A_58 = tpu.memref_squeeze %dma_start3A_57 : memref<1x125x80xi32, #tpu.memory_space<hbm>> -> memref<125x80xi32, #tpu.memory_space<hbm>>
        tpu.enqueue_dma source(%dma_start3A_58 : memref<125x80xi32, #tpu.memory_space<hbm>>) target(%run_scoped3A_1 : memref<125x80xi32, #tpu.memory_space<vmem>>) target_semaphore(%run_scoped3A_51 : memref<!tpu.dma_semaphore, #tpu.memory_space<semaphore_mem>>)
        %dma_wait3A = arith.constant 0 : i32
        %dma_wait3A_59 = arith.constant 0 : i32
        %dma_wait3A_60 = tpu.memref_slice %arg4[%add3A, %dma_wait3A, %dma_wait3A_59] : memref<32x125x80xi32, #tpu.memory_space<hbm>> -> memref<1x125x80xi32, #tpu.memory_space<hbm>>
        %dma_wait3A_61 = tpu.memref_squeeze %dma_wait3A_60 : memref<1x125x80xi32, #tpu.memory_space<hbm>> -> memref<125x80xi32, #tpu.memory_space<hbm>>
        %dma_wait3A_62 = arith.constant 0 : i32
        %dma_wait3A_63 = arith.constant 0 : i32
        %dma_wait3A_64 = tpu.memref_slice %arg4[%add3A, %dma_wait3A_62, %dma_wait3A_63] : memref<32x125x80xi32, #tpu.memory_space<hbm>> -> memref<1x125x80xi32, #tpu.memory_space<hbm>>
        %dma_wait3A_65 = tpu.memref_squeeze %dma_wait3A_64 : memref<1x125x80xi32, #tpu.memory_space<hbm>> -> memref<125x80xi32, #tpu.memory_space<hbm>>
        tpu.wait_dma2 semaphore(%run_scoped3A_51 : memref<!tpu.dma_semaphore, #tpu.memory_space<semaphore_mem>>) src(%dma_wait3A_65 : memref<125x80xi32, #tpu.memory_space<hbm>>) dst(%run_scoped3A_1 : memref<125x80xi32, #tpu.memory_space<vmem>>)
        tpu.yield
      }) : () -> ()
      %barrier3A = arith.constant 0 : index
      tpu.barrier barrier_id(%barrier3A)
      %scan3A_41 = arith.constant 0 : i32
      %scan3A_42 = arith.constant 125 : i32
      %scan3A_43 = arith.addi %scan3A_41, %scan3A_42 : i32
      %scan3A_44 = arith.constant 1 : i32
      scf.for %scan3A_51 = %scan3A_41 to %scan3A_43 step %scan3A_44  : i32 {
        %mul3A_52 = arith.constant 1 : i32
        %mul3A_53 = arith.muli %scan3A_51, %mul3A_52 : i32
        %add3A_54 = arith.constant 0 : i32
        %add3A_55 = arith.addi %add3A_54, %mul3A_53 : i32
        %dma_start3A = arith.constant 0 : i32
        %dma_start3A_56 = tpu.memref_slice %run_scoped3A[%add3A_55, %dma_start3A] : memref<125x80xi32, #tpu.memory_space<vmem>> -> memref<1x80xi32, #tpu.memory_space<vmem>>
        %dma_start3A_57 = tpu.memref_squeeze %dma_start3A_56 : memref<1x80xi32, #tpu.memory_space<vmem>> -> memref<80xi32, #tpu.memory_space<vmem>>
        %dma_start3A_58 = arith.constant 0 : i32
        %dma_start3A_59 = arith.constant 0 : i32
        %dma_start3A_60 = tpu.memref_slice %arg2[%dma_start3A_58, %dma_start3A_59] : memref<10000x128xf32, #tpu.memory_space<hbm>> -> memref<10000x128xf32, #tpu.memory_space<hbm>>
        tpu.enqueue_indirect_dma source(%dma_start3A_60 : memref<10000x128xf32, #tpu.memory_space<hbm>>) target(%run_scoped3A_2 : memref<80x128xf32, #tpu.memory_space<vmem>>) offsets(%dma_start3A_57 : memref<80xi32, #tpu.memory_space<vmem>>) semaphore(%run_scoped3A_3 : memref<!tpu.dma_semaphore, #tpu.memory_space<semaphore_mem>>)
        %dma_wait3A = arith.constant 0 : i32
        %dma_wait3A_61 = tpu.memref_slice %run_scoped3A[%add3A_55, %dma_wait3A] : memref<125x80xi32, #tpu.memory_space<vmem>> -> memref<1x80xi32, #tpu.memory_space<vmem>>
        %dma_wait3A_62 = tpu.memref_squeeze %dma_wait3A_61 : memref<1x80xi32, #tpu.memory_space<vmem>> -> memref<80xi32, #tpu.memory_space<vmem>>
        %dma_wait3A_63 = arith.constant 0 : i32
        %dma_wait3A_64 = arith.constant 0 : i32
        %dma_wait3A_65 = tpu.memref_slice %arg2[%dma_wait3A_63, %dma_wait3A_64] : memref<10000x128xf32, #tpu.memory_space<hbm>> -> memref<10000x128xf32, #tpu.memory_space<hbm>>
        tpu.wait_indirect_dma semaphore(%run_scoped3A_3 : memref<!tpu.dma_semaphore, #tpu.memory_space<semaphore_mem>>) src(%dma_wait3A_65 : memref<10000x128xf32, #tpu.memory_space<hbm>>) dst(%run_scoped3A_2 : memref<80x128xf32, #tpu.memory_space<vmem>>)
        "tpu.region"() ({
          %run_scoped3A_66 = tpu.sem_alloc : memref<!tpu.dma_semaphore, #tpu.memory_space<semaphore_mem>>
          %dma_start3A_67 = arith.constant 0 : i32
          %dma_start3A_68 = tpu.memref_slice %run_scoped3A_1[%add3A_55, %dma_start3A_67] : memref<125x80xi32, #tpu.memory_space<vmem>> -> memref<1x80xi32, #tpu.memory_space<vmem>>
          %dma_start3A_69 = tpu.memref_squeeze %dma_start3A_68 : memref<1x80xi32, #tpu.memory_space<vmem>> -> memref<80xi32, #tpu.memory_space<vmem>>
          %dma_start3A_70 = arith.constant 0 : i32
          %dma_start3A_71 = arith.constant 0 : i32
          %dma_start3A_72 = tpu.memref_slice %arg6[%dma_start3A_70, %dma_start3A_71] : memref<10240x128xf32, #tpu.memory_space<vmem_shared>> -> memref<10240x128xf32, #tpu.memory_space<vmem_shared>>
          tpu.enqueue_indirect_dma source(%run_scoped3A_2 : memref<80x128xf32, #tpu.memory_space<vmem>>) target(%dma_start3A_72 : memref<10240x128xf32, #tpu.memory_space<vmem_shared>>) offsets(%dma_start3A_69 : memref<80xi32, #tpu.memory_space<vmem>>) semaphore(%run_scoped3A_66 : memref<!tpu.dma_semaphore, #tpu.memory_space<semaphore_mem>>) {add = true}
          %dma_wait3A_73 = arith.constant 0 : i32
          %dma_wait3A_74 = tpu.memref_slice %run_scoped3A_1[%add3A_55, %dma_wait3A_73] : memref<125x80xi32, #tpu.memory_space<vmem>> -> memref<1x80xi32, #tpu.memory_space<vmem>>
          %dma_wait3A_75 = tpu.memref_squeeze %dma_wait3A_74 : memref<1x80xi32, #tpu.memory_space<vmem>> -> memref<80xi32, #tpu.memory_space<vmem>>
          %dma_wait3A_76 = arith.constant 0 : i32
          %dma_wait3A_77 = arith.constant 0 : i32
          %dma_wait3A_78 = tpu.memref_slice %arg6[%dma_wait3A_76, %dma_wait3A_77] : memref<10240x128xf32, #tpu.memory_space<vmem_shared>> -> memref<10240x128xf32, #tpu.memory_space<vmem_shared>>
          tpu.wait_indirect_dma semaphore(%run_scoped3A_66 : memref<!tpu.dma_semaphore, #tpu.memory_space<semaphore_mem>>) src(%run_scoped3A_2 : memref<80x128xf32, #tpu.memory_space<vmem>>) dst(%dma_wait3A_78 : memref<10240x128xf32, #tpu.memory_space<vmem_shared>>)
          tpu.yield
        }) : () -> ()
      }
      %scan3A_45 = arith.constant 125 : i32
      %barrier3A_46 = arith.constant 0 : index
      tpu.barrier barrier_id(%barrier3A_46)
      %mul3A_47 = arith.constant 640 : i32
      %mul3A_48 = arith.muli %arg1, %mul3A_47 : i32
      %mul3A_49 = arith.constant 640 : i32
      %mul3A_50 = arith.muli %arg1, %mul3A_49 : i32
      "tpu.region"() ({
        %run_scoped3A_51 = tpu.sem_alloc : memref<!tpu.dma_semaphore, #tpu.memory_space<semaphore_mem>>
        %dma_start3A = arith.constant 0 : i32
        %dma_start3A_52 = tpu.memref_slice %arg5[%arg0, %mul3A_50, %dma_start3A] : memref<2x10240x128xf32, #tpu.memory_space<hbm>> -> memref<1x640x128xf32, #tpu.memory_space<hbm>>
        %dma_start3A_53 = tpu.memref_squeeze %dma_start3A_52 : memref<1x640x128xf32, #tpu.memory_space<hbm>> -> memref<640x128xf32, #tpu.memory_space<hbm>>
        %dma_start3A_54 = arith.constant 0 : i32
        %dma_start3A_55 = tpu.memref_slice %arg6[%mul3A_48, %dma_start3A_54] : memref<10240x128xf32, #tpu.memory_space<vmem_shared>> -> memref<640x128xf32, #tpu.memory_space<vmem_shared>>
        tpu.enqueue_dma source(%dma_start3A_55 : memref<640x128xf32, #tpu.memory_space<vmem_shared>>) target(%dma_start3A_53 : memref<640x128xf32, #tpu.memory_space<hbm>>) target_semaphore(%run_scoped3A_51 : memref<!tpu.dma_semaphore, #tpu.memory_space<semaphore_mem>>)
        %dma_wait3A = arith.constant 0 : i32
        %dma_wait3A_56 = tpu.memref_slice %arg5[%arg0, %mul3A_50, %dma_wait3A] : memref<2x10240x128xf32, #tpu.memory_space<hbm>> -> memref<1x640x128xf32, #tpu.memory_space<hbm>>
        %dma_wait3A_57 = tpu.memref_squeeze %dma_wait3A_56 : memref<1x640x128xf32, #tpu.memory_space<hbm>> -> memref<640x128xf32, #tpu.memory_space<hbm>>
        %dma_wait3A_58 = arith.constant 0 : i32
        %dma_wait3A_59 = tpu.memref_slice %arg6[%mul3A_48, %dma_wait3A_58] : memref<10240x128xf32, #tpu.memory_space<vmem_shared>> -> memref<640x128xf32, #tpu.memory_space<vmem_shared>>
        tpu.wait_dma2 semaphore(%run_scoped3A_51 : memref<!tpu.dma_semaphore, #tpu.memory_space<semaphore_mem>>) src(%dma_wait3A_59 : memref<640x128xf32, #tpu.memory_space<vmem_shared>>) dst(%dma_wait3A_57 : memref<640x128xf32, #tpu.memory_space<hbm>>)
        tpu.yield
      }) : () -> ()
      tpu.yield
    }) : () -> ()
    return
  }
}

module attributes {stable_mosaic.version = 14 : i64} {
  func.func @_mm1_body(%arg0: i32, %arg1: memref<1000x128xf32, #tpu.memory_space<vmem>>, %arg2: memref<128x128xf32, #tpu.memory_space<vmem>>, %arg3: memref<1000x128xf32, #tpu.memory_space<vmem>>) attributes {dimension_semantics = [#tpu.dimension_semantics<arbitrary>], iteration_bounds = array<i64: 10>, scalar_prefetch = 0 : i64, scratch_operands = 0 : i64, tpu.core_type = #tpu.core_type<tc>, window_params = [{transform_indices = @transform_0, window_bounds = array<i64: 1000, 128>}, {pipeline_mode = #tpu.pipeline_mode<synchronous>, transform_indices = @transform_1, window_bounds = array<i64: 128, 128>}, {transform_indices = @transform_2, window_bounds = array<i64: 1000, 128>}]} {
    %get3A = arith.constant 0 : index
    %get3A_0 = arith.constant 0 : index
    %get3A_1 = vector.load %arg1[%get3A, %get3A_0] : memref<1000x128xf32, #tpu.memory_space<vmem>>, vector<1000x128xf32>
    %get3A_2 = arith.constant 0 : index
    %get3A_3 = arith.constant 0 : index
    %get3A_4 = vector.load %arg2[%get3A_2, %get3A_3] : memref<128x128xf32, #tpu.memory_space<vmem>>, vector<128x128xf32>
    %dot_general3A = arith.constant dense<0.000000e+00> : vector<1000x128xf32>
    %dot_general3A_5 = tpu.matmul %get3A_1, %get3A_4, %dot_general3A {dimension_numbers = #tpu.dot_dimension_numbers<[1], [0], [0], [1], [0, 0, 1, 1], [], []>, transpose_lhs_hint = false} : vector<1000x128xf32>, vector<128x128xf32>, vector<1000x128xf32> -> vector<1000x128xf32>
    %swap3A = arith.constant 0 : index
    %swap3A_6 = arith.constant 0 : index
    %swap3A_7 = vector.load %arg3[%swap3A, %swap3A_6] : memref<1000x128xf32, #tpu.memory_space<vmem>>, vector<1000x128xf32>
    tpu.vector_store %arg3[%swap3A, %swap3A_6], %dot_general3A_5 {strides = array<i32>} : memref<1000x128xf32, #tpu.memory_space<vmem>>, vector<1000x128xf32>,
    return
  }
  func.func @transform_0(%arg0: i32) -> (i32, i32) {
    %c0_i32 = arith.constant 0 : i32
    %c0_i32_0 = arith.constant 0 : i32
    return %arg0, %c0_i32 : i32, i32
  }
  func.func @transform_1(%arg0: i32) -> (i32, i32) {
    %c0_i32 = arith.constant 0 : i32
    %c0_i32_0 = arith.constant 0 : i32
    %c0_i32_1 = arith.constant 0 : i32
    return %c0_i32, %c0_i32_0 : i32, i32
  }
  func.func @transform_2(%arg0: i32) -> (i32, i32) {
    %c0_i32 = arith.constant 0 : i32
    %c0_i32_0 = arith.constant 0 : i32
    return %arg0, %c0_i32 : i32, i32
  }
}

module attributes {stable_mosaic.version = 14 : i64} {
  func.func @_scale1_body(%arg0: i32, %arg1: memref<1000x128xf32, #tpu.memory_space<vmem>>, %arg2: memref<1000x1xf32, #tpu.memory_space<vmem>>, %arg3: memref<1000x1xf32, #tpu.memory_space<vmem>>, %arg4: memref<1000x128xf32, #tpu.memory_space<vmem>>, %arg5: memref<1000x1xf32, #tpu.memory_space<vmem>>) attributes {dimension_semantics = [#tpu.dimension_semantics<arbitrary>], iteration_bounds = array<i64: 10>, scalar_prefetch = 0 : i64, scratch_operands = 0 : i64, tpu.core_type = #tpu.core_type<tc>, window_params = [{transform_indices = @transform_0, window_bounds = array<i64: 1000, 128>}, {transform_indices = @transform_1, window_bounds = array<i64: 1000, 1>}, {transform_indices = @transform_2, window_bounds = array<i64: 1000, 1>}, {transform_indices = @transform_3, window_bounds = array<i64: 1000, 128>}, {transform_indices = @transform_4, window_bounds = array<i64: 1000, 1>}]} {
    %get3A = arith.constant 0 : index
    %get3A_0 = arith.constant 0 : index
    %get3A_1 = vector.load %arg2[%get3A, %get3A_0] : memref<1000x1xf32, #tpu.memory_space<vmem>>, vector<1000x1xf32>
    %get3A_2 = arith.constant 0 : index
    %get3A_3 = arith.constant 0 : index
    %get3A_4 = vector.load %arg3[%get3A_2, %get3A_3] : memref<1000x1xf32, #tpu.memory_space<vmem>>, vector<1000x1xf32>
    %add3A = arith.addf %get3A_1, %get3A_4 : vector<1000x1xf32>
    %add3A_5 = arith.constant 1.000000e+00 : f32
    %add3A_6 = vector.broadcast %add3A_5 : f32 to vector<1000x1xf32>
    %add3A_7 = arith.addf %add3A, %add3A_6 : vector<1000x1xf32>
    %rsqrt3A = math.rsqrt %add3A_7 : vector<1000x1xf32>
    %get3A_8 = arith.constant 0 : index
    %get3A_9 = arith.constant 0 : index
    %get3A_10 = vector.load %arg1[%get3A_8, %get3A_9] : memref<1000x128xf32, #tpu.memory_space<vmem>>, vector<1000x128xf32>
    %mul3A = vector.broadcast %rsqrt3A : vector<1000x1xf32> to vector<1000x128xf32>
    %mul3A_11 = arith.mulf %get3A_10, %mul3A : vector<1000x128xf32>
    %swap3A = arith.constant 0 : index
    %swap3A_12 = arith.constant 0 : index
    %swap3A_13 = vector.load %arg4[%swap3A, %swap3A_12] : memref<1000x128xf32, #tpu.memory_space<vmem>>, vector<1000x128xf32>
    tpu.vector_store %arg4[%swap3A, %swap3A_12], %mul3A_11 {strides = array<i32>} : memref<1000x128xf32, #tpu.memory_space<vmem>>, vector<1000x128xf32>,
    %swap3A_14 = arith.constant 0 : index
    %swap3A_15 = arith.constant 0 : index
    %swap3A_16 = vector.load %arg5[%swap3A_14, %swap3A_15] : memref<1000x1xf32, #tpu.memory_space<vmem>>, vector<1000x1xf32>
    tpu.vector_store %arg5[%swap3A_14, %swap3A_15], %rsqrt3A {strides = array<i32>} : memref<1000x1xf32, #tpu.memory_space<vmem>>, vector<1000x1xf32>,
    return
  }
  func.func @transform_0(%arg0: i32) -> (i32, i32) {
    %c0_i32 = arith.constant 0 : i32
    %c0_i32_0 = arith.constant 0 : i32
    return %arg0, %c0_i32 : i32, i32
  }
  func.func @transform_1(%arg0: i32) -> (i32, i32) {
    %c0_i32 = arith.constant 0 : i32
    %c0_i32_0 = arith.constant 0 : i32
    return %arg0, %c0_i32 : i32, i32
  }
  func.func @transform_2(%arg0: i32) -> (i32, i32) {
    %c0_i32 = arith.constant 0 : i32
    %c0_i32_0 = arith.constant 0 : i32
    return %arg0, %c0_i32 : i32, i32
  }
  func.func @transform_3(%arg0: i32) -> (i32, i32) {
    %c0_i32 = arith.constant 0 : i32
    %c0_i32_0 = arith.constant 0 : i32
    return %arg0, %c0_i32 : i32, i32
  }
  func.func @transform_4(%arg0: i32) -> (i32, i32) {
    %c0_i32 = arith.constant 0 : i32
    %c0_i32_0 = arith.constant 0 : i32
    return %arg0, %c0_i32 : i32, i32
  }
}

module attributes {stable_mosaic.version = 14 : i64} {
  func.func @body(%arg0: i32, %arg1: memref<2x1000x128xf32, #tpu.memory_space<vmem>>, %arg2: memref<1000x128xf32, #tpu.memory_space<vmem>>, %arg3: memref<1000x1xf32, #tpu.memory_space<vmem>>, %arg4: memref<1x128xf32, #tpu.memory_space<vmem>>, %arg5: memref<128x64xf32, #tpu.memory_space<vmem>>, %arg6: memref<1000x64xf32, #tpu.memory_space<vmem>>) attributes {dimension_semantics = [#tpu.dimension_semantics<arbitrary>], iteration_bounds = array<i64: 10>, scalar_prefetch = 0 : i64, scratch_operands = 0 : i64, tpu.core_type = #tpu.core_type<tc>, window_params = [{transform_indices = @transform_0, window_bounds = array<i64: 2, 1000, 128>}, {transform_indices = @transform_1, window_bounds = array<i64: 1000, 128>}, {transform_indices = @transform_2, window_bounds = array<i64: 1000, 1>}, {pipeline_mode = #tpu.pipeline_mode<synchronous>, transform_indices = @transform_3, window_bounds = array<i64: 1, 128>}, {pipeline_mode = #tpu.pipeline_mode<synchronous>, transform_indices = @transform_4, window_bounds = array<i64: 128, 64>}, {transform_indices = @transform_5, window_bounds = array<i64: 1000, 64>}]} {
    %get3A = arith.constant 0 : index
    %get3A_0 = arith.constant 0 : index
    %get3A_1 = arith.constant 0 : index
    %get3A_2 = vector.load %arg1[%get3A, %get3A_0, %get3A_1] : memref<2x1000x128xf32, #tpu.memory_space<vmem>>, vector<1x1000x128xf32>
    %get3A_3 = vector.shape_cast %get3A_2 : vector<1x1000x128xf32> to vector<1000x128xf32>
    %get3A_4 = arith.constant 1 : index
    %get3A_5 = arith.constant 0 : index
    %get3A_6 = arith.constant 0 : index
    %get3A_7 = vector.load %arg1[%get3A_4, %get3A_5, %get3A_6] : memref<2x1000x128xf32, #tpu.memory_space<vmem>>, vector<1x1000x128xf32>
    %get3A_8 = vector.shape_cast %get3A_7 : vector<1x1000x128xf32> to vector<1000x128xf32>
    %add3A = arith.addf %get3A_3, %get3A_8 : vector<1000x128xf32>
    %get3A_9 = arith.constant 0 : index
    %get3A_10 = arith.constant 0 : index
    %get3A_11 = vector.load %arg2[%get3A_9, %get3A_10] : memref<1000x128xf32, #tpu.memory_space<vmem>>, vector<1000x128xf32>
    %add3A_12 = arith.addf %add3A, %get3A_11 : vector<1000x128xf32>
    %get3A_13 = arith.constant 0 : index
    %get3A_14 = arith.constant 0 : index
    %get3A_15 = vector.load %arg3[%get3A_13, %get3A_14] : memref<1000x1xf32, #tpu.memory_space<vmem>>, vector<1000x1xf32>
    %mul3A = vector.broadcast %get3A_15 : vector<1000x1xf32> to vector<1000x128xf32>
    %mul3A_16 = arith.mulf %add3A_12, %mul3A : vector<1000x128xf32>
    %get3A_17 = arith.constant 0 : index
    %get3A_18 = arith.constant 0 : index
    %get3A_19 = vector.load %arg4[%get3A_17, %get3A_18] : memref<1x128xf32, #tpu.memory_space<vmem>>, vector<1x128xf32>
    %add3A_20 = vector.broadcast %get3A_19 : vector<1x128xf32> to vector<1000x128xf32>
    %add3A_21 = arith.addf %mul3A_16, %add3A_20 : vector<1000x128xf32>
    %tanh3A = math.tanh %add3A_21 : vector<1000x128xf32>
    %get3A_22 = arith.constant 0 : index
    %get3A_23 = arith.constant 0 : index
    %get3A_24 = vector.load %arg5[%get3A_22, %get3A_23] : memref<128x64xf32, #tpu.memory_space<vmem>>, vector<128x64xf32>
    %dot_general3A = arith.constant dense<0.000000e+00> : vector<1000x64xf32>
    %dot_general3A_25 = tpu.matmul %tanh3A, %get3A_24, %dot_general3A {dimension_numbers = #tpu.dot_dimension_numbers<[1], [0], [0], [1], [0, 0, 1, 1], [], []>, transpose_lhs_hint = false} : vector<1000x128xf32>, vector<128x64xf32>, vector<1000x64xf32> -> vector<1000x64xf32>
    %get3A_26 = arith.constant 0 : index
    %get3A_27 = arith.constant 0 : index
    %get3A_28 = vector.load %arg3[%get3A_26, %get3A_27] : memref<1000x1xf32, #tpu.memory_space<vmem>>, vector<1000x1xf32>
    %mul3A_29 = vector.broadcast %get3A_28 : vector<1000x1xf32> to vector<1000x64xf32>
    %mul3A_30 = arith.mulf %dot_general3A_25, %mul3A_29 : vector<1000x64xf32>
    %swap3A = arith.constant 0 : index
    %swap3A_31 = arith.constant 0 : index
    %swap3A_32 = vector.load %arg6[%swap3A, %swap3A_31] : memref<1000x64xf32, #tpu.memory_space<vmem>>, vector<1000x64xf32>
    tpu.vector_store %arg6[%swap3A, %swap3A_31], %mul3A_30 {strides = array<i32>} : memref<1000x64xf32, #tpu.memory_space<vmem>>, vector<1000x64xf32>,
    return
  }
  func.func @transform_0(%arg0: i32) -> (i32, i32, i32) {
    %c0_i32 = arith.constant 0 : i32
    %c0_i32_0 = arith.constant 0 : i32
    %c0_i32_1 = arith.constant 0 : i32
    return %c0_i32, %arg0, %c0_i32_0 : i32, i32, i32
  }
  func.func @transform_1(%arg0: i32) -> (i32, i32) {
    %c0_i32 = arith.constant 0 : i32
    %c0_i32_0 = arith.constant 0 : i32
    return %arg0, %c0_i32 : i32, i32
  }
  func.func @transform_2(%arg0: i32) -> (i32, i32) {
    %c0_i32 = arith.constant 0 : i32
    %c0_i32_0 = arith.constant 0 : i32
    return %arg0, %c0_i32 : i32, i32
  }
  func.func @transform_3(%arg0: i32) -> (i32, i32) {
    %c0_i32 = arith.constant 0 : i32
    %c0_i32_0 = arith.constant 0 : i32
    %c0_i32_1 = arith.constant 0 : i32
    return %c0_i32, %c0_i32_0 : i32, i32
  }
  func.func @transform_4(%arg0: i32) -> (i32, i32) {
    %c0_i32 = arith.constant 0 : i32
    %c0_i32_0 = arith.constant 0 : i32
    %c0_i32_1 = arith.constant 0 : i32
    return %c0_i32, %c0_i32_0 : i32, i32
  }
  func.func @transform_5(%arg0: i32) -> (i32, i32) {
    %c0_i32 = arith.constant 0 : i32
    %c0_i32_0 = arith.constant 0 : i32
    return %arg0, %c0_i32 : i32, i32
  }
}

module attributes {stable_mosaic.version = 14 : i64} {
  func.func @body(%arg0: i32, %arg1: memref<2x1000x64xf32, #tpu.memory_space<vmem>>, %arg2: memref<1000x64xf32, #tpu.memory_space<vmem>>, %arg3: memref<1000x1xf32, #tpu.memory_space<vmem>>, %arg4: memref<1x64xf32, #tpu.memory_space<vmem>>, %arg5: memref<64x1xf32, #tpu.memory_space<vmem>>, %arg6: memref<1000x1xf32, #tpu.memory_space<vmem>>) attributes {dimension_semantics = [#tpu.dimension_semantics<arbitrary>], iteration_bounds = array<i64: 10>, scalar_prefetch = 0 : i64, scratch_operands = 0 : i64, tpu.core_type = #tpu.core_type<tc>, window_params = [{transform_indices = @transform_0, window_bounds = array<i64: 2, 1000, 64>}, {transform_indices = @transform_1, window_bounds = array<i64: 1000, 64>}, {transform_indices = @transform_2, window_bounds = array<i64: 1000, 1>}, {pipeline_mode = #tpu.pipeline_mode<synchronous>, transform_indices = @transform_3, window_bounds = array<i64: 1, 64>}, {pipeline_mode = #tpu.pipeline_mode<synchronous>, transform_indices = @transform_4, window_bounds = array<i64: 64, 1>}, {transform_indices = @transform_5, window_bounds = array<i64: 1000, 1>}]} {
    %get3A = arith.constant 0 : index
    %get3A_0 = arith.constant 0 : index
    %get3A_1 = arith.constant 0 : index
    %get3A_2 = vector.load %arg1[%get3A, %get3A_0, %get3A_1] : memref<2x1000x64xf32, #tpu.memory_space<vmem>>, vector<1x1000x64xf32>
    %get3A_3 = vector.shape_cast %get3A_2 : vector<1x1000x64xf32> to vector<1000x64xf32>
    %get3A_4 = arith.constant 1 : index
    %get3A_5 = arith.constant 0 : index
    %get3A_6 = arith.constant 0 : index
    %get3A_7 = vector.load %arg1[%get3A_4, %get3A_5, %get3A_6] : memref<2x1000x64xf32, #tpu.memory_space<vmem>>, vector<1x1000x64xf32>
    %get3A_8 = vector.shape_cast %get3A_7 : vector<1x1000x64xf32> to vector<1000x64xf32>
    %add3A = arith.addf %get3A_3, %get3A_8 : vector<1000x64xf32>
    %get3A_9 = arith.constant 0 : index
    %get3A_10 = arith.constant 0 : index
    %get3A_11 = vector.load %arg2[%get3A_9, %get3A_10] : memref<1000x64xf32, #tpu.memory_space<vmem>>, vector<1000x64xf32>
    %add3A_12 = arith.addf %add3A, %get3A_11 : vector<1000x64xf32>
    %get3A_13 = arith.constant 0 : index
    %get3A_14 = arith.constant 0 : index
    %get3A_15 = vector.load %arg3[%get3A_13, %get3A_14] : memref<1000x1xf32, #tpu.memory_space<vmem>>, vector<1000x1xf32>
    %mul3A = vector.broadcast %get3A_15 : vector<1000x1xf32> to vector<1000x64xf32>
    %mul3A_16 = arith.mulf %add3A_12, %mul3A : vector<1000x64xf32>
    %get3A_17 = arith.constant 0 : index
    %get3A_18 = arith.constant 0 : index
    %get3A_19 = vector.load %arg4[%get3A_17, %get3A_18] : memref<1x64xf32, #tpu.memory_space<vmem>>, vector<1x64xf32>
    %add3A_20 = vector.broadcast %get3A_19 : vector<1x64xf32> to vector<1000x64xf32>
    %add3A_21 = arith.addf %mul3A_16, %add3A_20 : vector<1000x64xf32>
    %tanh3A = math.tanh %add3A_21 : vector<1000x64xf32>
    %get3A_22 = arith.constant 0 : index
    %get3A_23 = arith.constant 0 : index
    %get3A_24 = vector.load %arg5[%get3A_22, %get3A_23] : memref<64x1xf32, #tpu.memory_space<vmem>>, vector<64x1xf32>
    %dot_general3A = arith.constant dense<0.000000e+00> : vector<1000x1xf32>
    %dot_general3A_25 = tpu.matmul %tanh3A, %get3A_24, %dot_general3A {dimension_numbers = #tpu.dot_dimension_numbers<[1], [0], [0], [1], [0, 0, 1, 1], [], []>, transpose_lhs_hint = false} : vector<1000x64xf32>, vector<64x1xf32>, vector<1000x1xf32> -> vector<1000x1xf32>
    %get3A_26 = arith.constant 0 : index
    %get3A_27 = arith.constant 0 : index
    %get3A_28 = vector.load %arg3[%get3A_26, %get3A_27] : memref<1000x1xf32, #tpu.memory_space<vmem>>, vector<1000x1xf32>
    %mul3A_29 = arith.mulf %dot_general3A_25, %get3A_28 : vector<1000x1xf32>
    %swap3A = arith.constant 0 : index
    %swap3A_30 = arith.constant 0 : index
    %swap3A_31 = vector.load %arg6[%swap3A, %swap3A_30] : memref<1000x1xf32, #tpu.memory_space<vmem>>, vector<1000x1xf32>
    tpu.vector_store %arg6[%swap3A, %swap3A_30], %mul3A_29 {strides = array<i32>} : memref<1000x1xf32, #tpu.memory_space<vmem>>, vector<1000x1xf32>,
    return
  }
  func.func @transform_0(%arg0: i32) -> (i32, i32, i32) {
    %c0_i32 = arith.constant 0 : i32
    %c0_i32_0 = arith.constant 0 : i32
    %c0_i32_1 = arith.constant 0 : i32
    return %c0_i32, %arg0, %c0_i32_0 : i32, i32, i32
  }
  func.func @transform_1(%arg0: i32) -> (i32, i32) {
    %c0_i32 = arith.constant 0 : i32
    %c0_i32_0 = arith.constant 0 : i32
    return %arg0, %c0_i32 : i32, i32
  }
  func.func @transform_2(%arg0: i32) -> (i32, i32) {
    %c0_i32 = arith.constant 0 : i32
    %c0_i32_0 = arith.constant 0 : i32
    return %arg0, %c0_i32 : i32, i32
  }
  func.func @transform_3(%arg0: i32) -> (i32, i32) {
    %c0_i32 = arith.constant 0 : i32
    %c0_i32_0 = arith.constant 0 : i32
    %c0_i32_1 = arith.constant 0 : i32
    return %c0_i32, %c0_i32_0 : i32, i32
  }
  func.func @transform_4(%arg0: i32) -> (i32, i32) {
    %c0_i32 = arith.constant 0 : i32
    %c0_i32_0 = arith.constant 0 : i32
    %c0_i32_1 = arith.constant 0 : i32
    return %c0_i32, %c0_i32_0 : i32, i32
  }
  func.func @transform_5(%arg0: i32) -> (i32, i32) {
    %c0_i32 = arith.constant 0 : i32
    %c0_i32_0 = arith.constant 0 : i32
    return %arg0, %c0_i32 : i32, i32
  }
}

module attributes {stable_mosaic.version = 14 : i64} {
  func.func @_comb3_body(%arg0: i32, %arg1: memref<1000x1xf32, #tpu.memory_space<vmem>>, %arg2: memref<1000x1xf32, #tpu.memory_space<vmem>>, %arg3: memref<1000x1xf32, #tpu.memory_space<vmem>>, %arg4: memref<1000x1xf32, #tpu.memory_space<vmem>>, %arg5: memref<1x1xf32, #tpu.memory_space<vmem>>, %arg6: memref<1000x1xf32, #tpu.memory_space<vmem>>) attributes {dimension_semantics = [#tpu.dimension_semantics<arbitrary>], iteration_bounds = array<i64: 10>, scalar_prefetch = 0 : i64, scratch_operands = 0 : i64, tpu.core_type = #tpu.core_type<tc>, window_params = [{transform_indices = @transform_0, window_bounds = array<i64: 1000, 1>}, {transform_indices = @transform_1, window_bounds = array<i64: 1000, 1>}, {transform_indices = @transform_2, window_bounds = array<i64: 1000, 1>}, {transform_indices = @transform_3, window_bounds = array<i64: 1000, 1>}, {pipeline_mode = #tpu.pipeline_mode<synchronous>, transform_indices = @transform_4, window_bounds = array<i64: 1, 1>}, {transform_indices = @transform_5, window_bounds = array<i64: 1000, 1>}]} {
    %get3A = arith.constant 0 : index
    %get3A_0 = arith.constant 0 : index
    %get3A_1 = vector.load %arg1[%get3A, %get3A_0] : memref<1000x1xf32, #tpu.memory_space<vmem>>, vector<1000x1xf32>
    %get3A_2 = arith.constant 0 : index
    %get3A_3 = arith.constant 0 : index
    %get3A_4 = vector.load %arg2[%get3A_2, %get3A_3] : memref<1000x1xf32, #tpu.memory_space<vmem>>, vector<1000x1xf32>
    %add3A = arith.addf %get3A_1, %get3A_4 : vector<1000x1xf32>
    %get3A_5 = arith.constant 0 : index
    %get3A_6 = arith.constant 0 : index
    %get3A_7 = vector.load %arg3[%get3A_5, %get3A_6] : memref<1000x1xf32, #tpu.memory_space<vmem>>, vector<1000x1xf32>
    %add3A_8 = arith.addf %add3A, %get3A_7 : vector<1000x1xf32>
    %get3A_9 = arith.constant 0 : index
    %get3A_10 = arith.constant 0 : index
    %get3A_11 = vector.load %arg4[%get3A_9, %get3A_10] : memref<1000x1xf32, #tpu.memory_space<vmem>>, vector<1000x1xf32>
    %mul3A = arith.mulf %add3A_8, %get3A_11 : vector<1000x1xf32>
    %get3A_12 = arith.constant 0 : index
    %get3A_13 = arith.constant 0 : index
    %get3A_14 = vector.load %arg5[%get3A_12, %get3A_13] : memref<1x1xf32, #tpu.memory_space<vmem>>, vector<1x1xf32>
    %add3A_15 = vector.broadcast %get3A_14 : vector<1x1xf32> to vector<1000x1xf32>
    %add3A_16 = arith.addf %mul3A, %add3A_15 : vector<1000x1xf32>
    %swap3A = arith.constant 0 : index
    %swap3A_17 = arith.constant 0 : index
    %swap3A_18 = vector.load %arg6[%swap3A, %swap3A_17] : memref<1000x1xf32, #tpu.memory_space<vmem>>, vector<1000x1xf32>
    tpu.vector_store %arg6[%swap3A, %swap3A_17], %add3A_16 {strides = array<i32>} : memref<1000x1xf32, #tpu.memory_space<vmem>>, vector<1000x1xf32>,
    return
  }
  func.func @transform_0(%arg0: i32) -> (i32, i32) {
    %c0_i32 = arith.constant 0 : i32
    %c0_i32_0 = arith.constant 0 : i32
    return %arg0, %c0_i32 : i32, i32
  }
  func.func @transform_1(%arg0: i32) -> (i32, i32) {
    %c0_i32 = arith.constant 0 : i32
    %c0_i32_0 = arith.constant 0 : i32
    return %arg0, %c0_i32 : i32, i32
  }
  func.func @transform_2(%arg0: i32) -> (i32, i32) {
    %c0_i32 = arith.constant 0 : i32
    %c0_i32_0 = arith.constant 0 : i32
    return %arg0, %c0_i32 : i32, i32
  }
  func.func @transform_3(%arg0: i32) -> (i32, i32) {
    %c0_i32 = arith.constant 0 : i32
    %c0_i32_0 = arith.constant 0 : i32
    return %arg0, %c0_i32 : i32, i32
  }
  func.func @transform_4(%arg0: i32) -> (i32, i32) {
    %c0_i32 = arith.constant 0 : i32
    %c0_i32_0 = arith.constant 0 : i32
    %c0_i32_1 = arith.constant 0 : i32
    return %c0_i32, %c0_i32_0 : i32, i32
  }
  func.func @transform_5(%arg0: i32) -> (i32, i32) {
    %c0_i32 = arith.constant 0 : i32
    %c0_i32_0 = arith.constant 0 : i32
    return %arg0, %c0_i32 : i32, i32
  }
}

</mosaic_0001>

<sc_bundles>
// kernel: kernel.11.cloned.1.call-start
scs
__scs_entry_jumppad:
0x0: {  	(pc) =	sbr.rel $0x88, $3  }
0x1: {  	(tag) =	ssettag $0x0;
	lr =	simm.s32 $0x1  }
0x2: {  	[smem:$0x3F99] =	sst lr;
	_ =	strace $0xD0000000  }
0x3: {  	_ = 	snop  }
0x4: {  	_ = 	snop  }
0x5: {  	_ = 	snop  }
0x6: {  	_ = 	snop  }
0x7: {  	_ = 	snop  }
__scs_overlays_trampoline_lowered:
0x8: {  	[smem:$0x3FA8] =	sst s0  }
0x9: {  	[smem:$0x3FA9] =	sst s1  }
0xa: {  	[smem:$0x3FAA] =	sst s2  }
0xb: {  	[smem:$0x3FAB] =	sst s3  }
0xc: {  	[smem:$0x3FAC] =	sst s4  }
0xd: {  	[smem:$0x3FAD] =	sst s5  }
0xe: {  	[smem:$0x3FAE] =	sst s6  }
0xf: {  	[smem:$0x3FAF] =	sst s7  }
0x10: {  	[smem:$0x3FB0] =	sst s8  }
0x11: {  	[smem:$0x3FB1] =	sst s9;
	s0 =	simm.s32 @!p0 $0x0  }
0x12: {  	s1 =	sld [smem:$0x3F97];
	s0 =	simm.s32 @p0 $0x1  }
0x13: {  	[smem:$0x3FB2] =	sst s0;
	s0 =	simm.s32 @!p1 $0x0  }
0x14: {  	s2 =	sld [smem:$0x3F96];
	s0 =	simm.s32 @p1 $0x1  }
0x15: {  	[smem:$0x3FB3] =	sst s0;
	s0 =	simm.s32 @!p2 $0x0  }
0x16: {  	s3 =	sld [smem:$0x3FDB];
	s0 =	simm.s32 @p2 $0x1  }
0x17: {  	s4 =	simm.s32 $0x1BF5;
	[smem:$0x3FB5] =	sst s0  }
0x18: {  	s0 =	sld [smem:$0x3F98];
	_ =	swait.ge [sflag:s4], $0x0  }
0x19: {  	s7 =	sld [smem:$0x3F99]  }
0x1a: {  	s8 =	sadd.s32 $0xFFFFE003, lr  }
0x1b: {  	s9 =	sadd.s32 $0xFFFFFEF7, lr;
	s5 =	simm.s32 $0xFFFFFFFF;
	p2 =	slt.u32 s8, $0xFFFFF086  }
0x1c: {  	p1 =	slt.u32 s9, $0xF7A;
	s5 =	simm.s32 @!p2 $0x0  }
0x1d: {  	s5 =	simm.s32 @p1 $0x1;
	p0 =	seq.s32 s7, s2  }
0x1e: {  	s7 =	smul.u32 @!p0 $0xF7A, s2;
	p2 =	seq.s32 @!p0 s5, $0x0  }
0x1f: {  	s9 =	smul.u32 $0xF7A, s1;
	s8 =	simm.s32 @!p0 $0x1BF5;
	p2 =	por !p2, p0  }
0x20: {  	[sflag:s8] =	ssyncset.s32 @!p0 $0xFFFFF086;
	s6 =	sadd.s32 @!p0 s3, s7;
	s7 =	simm.s32 @!p0 $0x108  }
0x21: {  	s3 =	sadd.s32 s3, s9;
	s6 =	sadd.s32 @!p0 $0x88, s6;
	s7 =	simm.s32 @p2 $0x1082  }
0x22: {  	[simem:s7], [sflag:s8] =	dma.local @!p0 [hbm:s6], $0xF7A  }
0x23: {  	s9 =	sor.u32 $0xD0000000, s2;
	s6 =	simm.s32 $0x108;
	_ =	swait.ge @!p0 [sflag:s8], $0x0  }
0x24: {  	s3 =	sadd.s32 $0x88, s3;
	s6 =	simm.s32 @!p1 $0x1082;
	[sflag:s4] =	ssyncset.s32 $0xFFFFF086  }
0x25: {  	[simem:s6], [sflag:s4] =	dma.local [hbm:s3], $0xF7A  }
0x26: {  	[smem:$0x3F99] =	sst s1;
	(tag) =	ssettag s2;
	_ =	strace s9  }
0x27: {  	s1 =	sld [smem:$0x3FA9]  }
0x28: {  	s2 =	sld [smem:$0x3FAA]  }
0x29: {  	s4 =	sld [smem:$0x3FAC]  }
0x2a: {  	p0 =	seq.s32 s5, $0x0;
	s5 =	sld [smem:$0x3FAD]  }
0x2b: {  	s6 =	sld [smem:$0x3FAE]  }
0x2c: {  	s7 =	sld [smem:$0x3FAF]  }
0x2d: {  	s3 =	simm.s32 $0x108;
	s8 =	sld [smem:$0x3FB0]  }
0x2e: {  	s3 =	simm.s32 @!p0 $0x1082;
	s9 =	sld [smem:$0x3FB1]  }
0x2f: {  	lr =	sadd.s32 s0, s3;
	s0 =	sld [smem:$0x3FA8]  }
0x30: {  	s3 =	sld [smem:$0x3FAB]  }
0x31: {  	[smem:$0x3FB4] =	sst s10  }
0x32: {  	s10 =	sld [smem:$0x3FB2];
	_ =	sdelay $0x3  }
0x33: {  	p0 =	seq.s32 s10, $0x1;
	s10 =	sld [smem:$0x3FB4];
	_ =	sdelay $0x3  }
0x34: {  	[smem:$0x3FB4] =	sst s10  }
0x35: {  	s10 =	sld [smem:$0x3FB3];
	_ =	sdelay $0x3  }
0x36: {  	p1 =	seq.s32 s10, $0x1;
	s10 =	sld [smem:$0x3FB4];
	_ =	sdelay $0x3  }
0x37: {  	[smem:$0x3FB4] =	sst s10  }
0x38: {  	s10 =	sld [smem:$0x3FB5]  }
0x39: {  	_ = 	snop;
	(pc) =	sbr.ind lr, $3  }
0x3a: {  	_ = 	snop  }
0x3b: {  	_ = 	snop  }
0x3c: {  	p2 =	seq.s32 s10, $0x1;
	s10 =	sld [smem:$0x3FB4]  }
0x3d: {  	_ =	shalt  }
0x3e: {  	_ =	shalt  }
0x3f: {  	_ =	shalt  }
0x40: {  	_ =	shalt  }
0x41: {  	_ =	shalt  }
0x42: {  	_ =	shalt  }
0x43: {  	_ =	shalt  }
0x44: {  	_ =	shalt  }
0x45: {  	_ =	shalt  }
0x46: {  	_ =	shalt  }
0x47: {  	_ =	shalt  }
0x48: {  	_ =	shalt  }
0x49: {  	_ =	shalt  }
0x4a: {  	_ =	shalt  }
0x4b: {  	_ =	shalt  }
0x4c: {  	_ =	shalt  }
0x4d: {  	_ =	shalt  }
0x4e: {  	_ =	shalt  }
0x4f: {  	_ =	shalt  }
0x50: {  	_ =	shalt  }
0x51: {  	_ =	shalt  }
0x52: {  	_ =	shalt  }
0x53: {  	_ =	shalt  }
0x54: {  	_ =	shalt  }
0x55: {  	_ =	shalt  }
0x56: {  	_ =	shalt  }
0x57: {  	_ =	shalt  }
0x58: {  	_ =	shalt  }
0x59: {  	_ =	shalt  }
0x5a: {  	_ =	shalt  }
0x5b: {  	_ =	shalt  }
0x5c: {  	_ =	shalt  }
0x5d: {  	_ =	shalt  }
0x5e: {  	_ =	shalt  }
0x5f: {  	_ =	shalt  }
0x60: {  	_ =	shalt  }
0x61: {  	_ =	shalt  }
0x62: {  	_ =	shalt  }
0x63: {  	_ =	shalt  }
0x64: {  	_ =	shalt  }
0x65: {  	_ =	shalt  }
0x66: {  	_ =	shalt  }
0x67: {  	_ =	shalt  }
0x68: {  	_ =	shalt  }
0x69: {  	_ =	shalt  }
0x6a: {  	_ =	shalt  }
0x6b: {  	_ =	shalt  }
0x6c: {  	_ =	shalt  }
0x6d: {  	_ =	shalt  }
0x6e: {  	_ =	shalt  }
0x6f: {  	_ =	shalt  }
0x70: {  	_ =	shalt  }
0x71: {  	_ =	shalt  }
0x72: {  	_ =	shalt  }
0x73: {  	_ =	shalt  }
0x74: {  	_ =	shalt  }
0x75: {  	_ =	shalt  }
0x76: {  	_ =	shalt  }
0x77: {  	_ =	shalt  }
0x78: {  	_ =	shalt  }
0x79: {  	_ =	shalt  }
0x7a: {  	_ =	shalt  }
0x7b: {  	_ =	shalt  }
0x7c: {  	_ =	shalt  }
0x7d: {  	_ =	shalt  }
0x7e: {  	_ =	shalt  }
0x7f: {  	_ =	shalt  }
0x80: {  	_ =	shalt  }
0x81: {  	_ =	shalt  }
0x82: {  	_ =	shalt  }
0x83: {  	_ =	shalt  }
0x84: {  	_ =	shalt  }
0x85: {  	_ =	shalt  }
0x86: {  	_ =	shalt  }
0x87: {  	_ =	shalt  }
.Lfunc_end0:
.L_simem_size_0:
called_computation_lowered:
.L_overlay_start_0:
0x88: {  	s2 =	sld [smem:$0x3FD9]  }
0x89: {  	s3 =	sld [smem:$0x3FFE];
	_ =	sdelay $0x1  }
0x8a: {  	s1 =	srdreg.scid  }
0x8b: {  	s0 =	sand.u32 $0x1, s1  }
0x8c: {  	s16 =	sshll.u32 s0, $0xA;
	s2 =	sadd.s32 s3, s2  }
0x8d: {  	s2 =	sadd.s32 s2, s16  }
0x8e: {  	[smem:$0x3FC0] =	sst s2  }
0x8f: {  	_ = 	snop  }
0x90: {  	(tm) =	ssettm $0x1  }
0x91: {  	s17 =	sld [smem:$0x3FFB];
	_ =	sdelay $0x3  }
0x92: {  	_ =	strace s17  }
0x93: {  	s2 =	sld [smem:$0x3FFC];
	_ =	sdelay $0x3  }
0x94: {  	_ =	strace s2  }
0x95: {  	s2 =	sld [smem:$0x3FFD];
	_ =	sdelay $0x3  }
0x96: {  	_ =	strace s2  }
0x97: {  	_ =	strace $0x8FFFFFFF  }
0x98: {  	s18 =	sld [smem:$0x3FDB];
	_ =	sdelay $0x1  }
0x99: {  	s19 =	simm.s32 $_scs_section_size  }
0x9a: {  	s4 =	simm.s32 $_size__tile_overlayer_lowered;
	s5 =	simm.s32 $_tile_overlayer_lowered  }
0x9b: {  	s22 =	simm.s32 $0x1BFF;
	s21 =	sshll.u32 s5, $0x1;
	s2 =	sadd.s32 s19, s18  }
0x9c: {  	s6 =	simm.s32 $0x0;
	s20 =	sshll.u32 s4, $0x1;
	s4 =	sadd.s32 s21, s2  }
0x9d: {  	[timem:s6], [sflag:s22] =	dma.local [hbm:s4], s20  }
0x9e: {  	_ =	swait.ge [sflag:s22], s20  }
0x9f: {  	s3 =	ssub.s32 $0x0, s20;
	[sflag:s22] =	ssyncset.done $0x0  }
0xa0: {  	[sflag:s22] =	ssyncadd.s32 s3;
	_ =	sdelay $0x1  }
0xa1: {  	s23 =	simm.s32 $0x1B8B  }
0xa2: {  	_ =	swait.ge [sflag:s23], $0x1  }
0xa3: {  	[sflag:s23] =	ssyncset.done $0x0  }
0xa4: {  	s25 =	simm.s32 $0x1B8E;
	s24 =	sld [smem:$0x3FFE];
	[sflag:s23] =	ssyncadd.s32 $0xFFFFFFFF  }
0xa5: {  	s26 =	simm.s32 $execute0_lowered;
	[smem:$0x3FD2] =	sst s25  }
0xa6: {  	s4 =	sshll.u32 s26, $0x1;
	_ =	strace $0x80000046;
	[dreg:$0x1] =	wrdreg $0xFFFFFFFF  }
0xa7: {  	s28 =	simm.s32 $_size_execute0_lowered;
	s2 =	sadd.s32 s2, s4;
	[dreg:$0x0] =	wrdreg $0x0  }
0xa8: {  	s4 =	sshll.u32 s28, $0x1;
	[dreg:$0x2] =	wrdreg s2  }
0xa9: {  	[dreg:$0x3] =	wrdreg s4  }
0xaa: {  	[dreg:$0x4] =	wrdreg $0xC0  }
0xab: {  	_ =	task [dreg:s6], $0x5FFFF  }
0xac: {  	[dreg:$0x1] =	wrdreg $0xFFFFFFFF  }
0xad: {  	[dreg:$0x0] =	wrdreg $0x60  }
0xae: {  	[dreg:$0x2] =	wrdreg s24  }
0xaf: {  	[dreg:$0x3] =	wrdreg $0x0  }
0xb0: {  	[dreg:$0x4] =	wrdreg $0x9  }
0xb1: {  	_ =	task.clear_ibuf [dreg:s6], $0x5FFFF;
	_ =	strace $0x90000046  }
0xb2: {  	s29 =	simm.s32 $0x9;
	_ =	strace $0x80000048  }
0xb3: {  	_ =	swait.ge [sflag:s29], $0x1  }
0xb4: {  	[sflag:s29] =	ssyncadd.s32 $0xFFFFFFFF  }
0xb5: {  	_ =	strace $0x90000048  }
0xb6: {  	_ =	sfence  }
0xb7: {  	s30 =	sld [smem:$0x0];
	_ =	sdelay $0x2  }
0xb8: {  	s31 =	sshll.u32 s1, $0xD;
	s1 =	sshrl.u32 s1, $0x2  }
0xb9: {  	s3 =	sand.u32 $0x4000, s31;
	s1 =	sadd.s32 s1, s30  }
0xba: {  	s0 =	sor.u32 s3, s0;
	s1 =	sshll.u32 s1, $0x11  }
0xbb: {  	s0 =	sor.u32 s1, s0  }
0xbc: {  	s0 =	sadd.s32 $0x8F2B, s0  }
0xbd: {  	[sflag:s0] =	ssyncadd.remote.s32 $0x1  }
0xbe: {  	_ =	sfence.sel $0xFFFF  }
0xbf: {  	[dreg:$0x0] =	wrdreg $0xFFFFFFFF;
	(pc) =	sbr.abs _section_cstart, $3  }
0xc0: {  	[dreg:$0x1] =	wrdreg $0xFFFFFFFF  }
0xc1: {  	_ =	task.clear_ibuf [dreg:s6], $0x2FFFF;
	_ =	strace $0x9FFFFFFF  }
0xc2: {  	(tm) =	ssettm $0x7FFFFFFF  }
0xc3: {  	_ =	shalt  }
tec
execute0_lowered:
.L_overlay_start_1:
0x0: {  	(tag) =	ssettag $0x1  }
0x1: {  	s4 =	rddreg [dreg:$0x0]  }
0x2: {  	s2 =	rddreg [dreg:$0x1]  }
0x3: {  	s0 =	rddreg [dreg:$0x2];
	s3 =	srdreg.scid  }
0x4: {  	s1 =	stileid.u32;
	s10 =	simm.s32 $0x280;
	s11 =	simm.s32 $0x50  }
0x5: {  	s12 =	simm.s32 $0x2990;
	s15 =	simm.s32 $0x0;
	s5 =	sand.u32 $0x1, s3  }
0x6: {  	s6 =	sshll.u32 s1, $0x1;
	s7 =	smul.u32 $0x280, s1;
	s3 =	simm.s32 $0x0  }
0x7: {  	s13 =	sshll.u32 s1, $0x6;
	s6 =	sor.u32 s5, s6;
	s8 =	smul.u32 $0x2800, s5  }
0x8: {  	[smem:$0x7FF] =	sst s3;
	s5 =	ssub.s32 $0x2, s5;
	s13 =	sor.u32 $0x1C01, s13  }
0x9: {  	s6 =	smul.u32 $0x4E2, s6;
	s9 =	sshrl.u32 s5, $0x1;
	s8 =	sadd.s32 s7, s8  }
0xa: {  	_ =	strace $0x80000047;
	s9 =	ssub.s32 s5, s9;
	s8 =	sshrl.u32 s8, $0x3  }
0xb: {  	s6 =	sadd.s32 s6, s4;
	s8 =	sadd.s32 s8, s4;
	s4 =	sadd.s32 s7, s2  }
0xc: {  	s5 =	sadd.s32 $0x2200, s6;
	s7 =	smax.u32 s9, $0x1;
	s9 =	simm.s32 $0x1  }
0xd: {  	v0 =	vimm.f32 $1.000000000e+00;
	v1 =	vimm.f32 $0.0e+00;
	s6 =	sadd.s32 $0x15E00, s8;
	s8 =	simm.s32 $0x29E0;
	s14 =	sshrl.u32 s4, $0x3  }
.LBB2_1:
0xe: {  	[tilespmem:$0x2990] =	vst v0  }
0xf: {  	[tilespmem:$0x29A0] =	vst v0  }
0x10: {  	[tilespmem:$0x29B0] =	vst v0  }
0x11: {  	[tilespmem:$0x29C0] =	vst v0  }
0x12: {  	[tilespmem:$0x29D0] =	vst v0  }
0x13: {  	[tilespmem:$0x29E0] =	vst v1  }
0x14: {  	[tilespmem:$0x29F0] =	vst v1  }
0x15: {  	[tilespmem:$0x2A00] =	vst v1  }
0x16: {  	[tilespmem:$0x2A10] =	vst v1  }
0x17: {  	[tilespmem:$0x2A20] =	vst v1  }
0x18: {  	[tilespmem:$0x2A30] =	vst v1  }
0x19: {  	[tilespmem:$0x2A40] =	vst v1  }
0x1a: {  	[tilespmem:$0x2A50] =	vst v1  }
0x1b: {  	[tilespmem:$0x2A60] =	vst v1  }
0x1c: {  	[tilespmem:$0x2A70] =	vst v1  }
0x1d: {  	[tilespmem:$0x2A80] =	vst v1  }
0x1e: {  	[tilespmem:$0x2A90] =	vst v1  }
0x1f: {  	[tilespmem:$0x2AA0] =	vst v1  }
0x20: {  	[tilespmem:$0x2AB0] =	vst v1  }
0x21: {  	[tilespmem:$0x2AC0] =	vst v1  }
0x22: {  	[tilespmem:$0x2AD0] =	vst v1  }
0x23: {  	[tilespmem:$0x2AE0] =	vst v1  }
0x24: {  	[tilespmem:$0x2AF0] =	vst v1  }
0x25: {  	[tilespmem:$0x2B00] =	vst v1  }
0x26: {  	[tilespmem:$0x2B10] =	vst v1  }
0x27: {  	[tilespmem:$0x2B20] =	vst v1  }
0x28: {  	[tilespmem:$0x2B30] =	vst v1  }
0x29: {  	[tilespmem:$0x2B40] =	vst v1  }
0x2a: {  	[tilespmem:$0x2B50] =	vst v1  }
0x2b: {  	[tilespmem:$0x2B60] =	vst v1  }
0x2c: {  	[tilespmem:$0x2B70] =	vst v1  }
0x2d: {  	[tilespmem:$0x2B80] =	vst v1  }
0x2e: {  	[tilespmem:$0x2B90] =	vst v1  }
0x2f: {  	[tilespmem:$0x2BA0] =	vst v1  }
0x30: {  	[tilespmem:$0x2BB0] =	vst v1  }
0x31: {  	[tilespmem:$0x2BC0] =	vst v1  }
0x32: {  	[tilespmem:$0x2BD0] =	vst v1  }
0x33: {  	[tilespmem:$0x2BE0] =	vst v1  }
0x34: {  	[tilespmem:$0x2BF0] =	vst v1  }
0x35: {  	[tilespmem:$0x2C00] =	vst v1  }
0x36: {  	[tilespmem:$0x2C10] =	vst v1  }
0x37: {  	[tilespmem:$0x2C20] =	vst v1  }
0x38: {  	[tilespmem:$0x2C30] =	vst v1  }
0x39: {  	[tilespmem:$0x2C40] =	vst v1  }
0x3a: {  	[tilespmem:$0x2C50] =	vst v1  }
0x3b: {  	[spmem:s4] =	stream.linear.scatter [tilespmem:s8], [sflag:$0x1], $0x280, $0x38;
	[tilespmem:$0x2C60] =	vst v63  }
0x3c: {  	_ =	swait.ge [sflag:s9], $0x280  }
0x3d: {  	[sflag:s9] =	ssyncset.done $0x0  }
0x3e: {  	[sflag:s9] =	ssyncadd.s32 $0xFFFFFD80  }
0x3f: {  	[tilespmem:s10], [sflag:$0x1] =	stream.linear.gather [hbm4b:s5+s3], $0x2710, $0x38;
	[tilespmem:$0x2C60] =	vst v63  }
0x40: {  	_ =	swait.ge [sflag:s9], $0x2710  }
0x41: {  	[sflag:s9] =	ssyncset.done $0x0  }
0x42: {  	[sflag:s9] =	ssyncadd.s32 $0xFFFFD8F0  }
0x43: {  	s16 =	simm.s32 $0x280;
	[bflag:$0x0] =	sbarrier.arrive $0xFFFF  }
0x44: {  	[spmem:s2] =	stream.indirect.scatter.add.f32 [tilespmem:s12], [sflag:$0x1], $0x1, s16, s11, $0xb8;
	[tilespmem:$0x2C60] =	vst v63  }
0x45: {  	s16 =	simm.s32 $0x140;
	_ =	swait.ge [sflag:s9], $0x50  }
.LBB2_2:
0x46: {  	s17 =	sshra.s32 s16, $0x2;
	[sflag:s9] =	ssyncset.done $0x0;
	p0 =	sne.s32 s16, $0x9B00  }
.Ltmp0:
0x47: {  	s17 =	sadd.s32 $0x280, s17;
	[sflag:s9] =	ssyncadd.s32 $0xFFFFFFB0;
	(pc) =	sbr.rel @p0 .LBB2_2-.Ltmp0, $3  }
0x48: {  	[spmem:s2] =	stream.indirect.scatter.add.f32 [tilespmem:s12], [sflag:$0x1], $0x1, s17, s11, $0xb8;
	[tilespmem:$0x2C60] =	vst v63  }
0x49: {  	s16 =	sadd.s32 $0x140, s16;
	_ =	sdelay $0x1  }
0x4a: {  	_ =	swait.ge [sflag:s9], $0x50  }
0x4b: {  	[sflag:s9] =	ssyncset.done $0x0;
	s15 =	sadd.s32 $0x1, s15  }
0x4c: {  	[sflag:s9] =	ssyncadd.s32 $0xFFFFFFB0;
	p0 =	sne.s32 s15, s7  }
.Ltmp1:
0x4d: {  	[bflag:$0x0] =	sbarrier.arrive $0xFFFF;
	(pc) =	sbr.rel @p0 .LBB2_1-.Ltmp1, $4  }
0x4e: {  	[hbm:s6], [sflag:s13] =	dma.local [spmem:s14], $0x50  }
0x4f: {  	_ =	swait.ge [sflag:s9], $0x50  }
0x50: {  	[sflag:s9] =	ssyncset.done $0x0  }
0x51: {  	[sflag:s9] =	ssyncadd.s32 $0xFFFFFFB0  }
0x52: {  	_ =	sfence.sel $0x180000  }
0x53: {  	[bflag:$0x0] =	sbarrier.arrive $0xFFFF  }
0x54: {  	p0 =	sne.s32 s1, $0x0;
	_ =	strace $0x90000047  }
0x55: {  	s0 =	sadd.s32 @!p0 $0x100000, s0;
	[bflag:$0x2] =	sbarrier.arrive $0xFFFF  }
0x56: {  	[sflag:s0] =	ssyncadd.tile.s32 @!p0 $0x1;
	_ =	shalt  }
.Lfunc_end2:
_tile_overlayer_lowered:
.L_overlay_start_2:
0x57: {  	(tag) =	ssettag $0x2  }
0x58: {  	s0 =	rddreg [dreg:$0x0];
	s2 =	stileid.u32  }
0x59: {  	s1 =	rddreg [dreg:$0x1];
	p0 =	sne.s32 s2, $0x0  }
0x5a: {  	s3 =	rddreg [dreg:$0x2];
	[bflag:$0x3] =	sbarrier.arrive $0xFFFF;
	s2 =	simm.s32 @!p0 $0x1C01  }
0x5b: {  	[timem:s3], [sflag:s2] =	dma.local @!p0 [hbm:s0], s1  }
0x5c: {  	s0 =	simm.s32 @!p0 $0x1  }
0x5d: {  	_ =	swait.ge @!p0 [sflag:s0], s1  }
0x5e: {  	s1 =	ssub.s32 @!p0 $0x0, s1;
	[sflag:s0] =	ssyncset.done @!p0 $0x0  }
0x5f: {  	[sflag:s0] =	ssyncadd.s32 @!p0 s1  }
0x60: {  	[bflag:$0x3] =	sbarrier.arrive $0xFFFF  }
0x61: {  	_ =	shalt  }

// kernel: kernel.14.cloned.1.call-start
scs
__scs_entry_jumppad:
0x0: {  	(pc) =	sbr.rel $0x88, $3  }
0x1: {  	(tag) =	ssettag $0x0;
	lr =	simm.s32 $0x1  }
0x2: {  	[smem:$0x3F99] =	sst lr;
	_ =	strace $0xD0000000  }
0x3: {  	_ = 	snop  }
0x4: {  	_ = 	snop  }
0x5: {  	_ = 	snop  }
0x6: {  	_ = 	snop  }
0x7: {  	_ = 	snop  }
__scs_overlays_trampoline_lowered:
0x8: {  	[smem:$0x3FA8] =	sst s0  }
0x9: {  	[smem:$0x3FA9] =	sst s1  }
0xa: {  	[smem:$0x3FAA] =	sst s2  }
0xb: {  	[smem:$0x3FAB] =	sst s3  }
0xc: {  	[smem:$0x3FAC] =	sst s4  }
0xd: {  	[smem:$0x3FAD] =	sst s5  }
0xe: {  	[smem:$0x3FAE] =	sst s6  }
0xf: {  	[smem:$0x3FAF] =	sst s7  }
0x10: {  	[smem:$0x3FB0] =	sst s8  }
0x11: {  	[smem:$0x3FB1] =	sst s9;
	s0 =	simm.s32 @!p0 $0x0  }
0x12: {  	s1 =	sld [smem:$0x3F97];
	s0 =	simm.s32 @p0 $0x1  }
0x13: {  	[smem:$0x3FB2] =	sst s0;
	s0 =	simm.s32 @!p1 $0x0  }
0x14: {  	s2 =	sld [smem:$0x3F96];
	s0 =	simm.s32 @p1 $0x1  }
0x15: {  	[smem:$0x3FB3] =	sst s0;
	s0 =	simm.s32 @!p2 $0x0  }
0x16: {  	s3 =	sld [smem:$0x3FDB];
	s0 =	simm.s32 @p2 $0x1  }
0x17: {  	s4 =	simm.s32 $0x1BF5;
	[smem:$0x3FB5] =	sst s0  }
0x18: {  	s0 =	sld [smem:$0x3F98];
	_ =	swait.ge [sflag:s4], $0x0  }
0x19: {  	s7 =	sld [smem:$0x3F99]  }
0x1a: {  	s8 =	sadd.s32 $0xFFFFE003, lr  }
0x1b: {  	s9 =	sadd.s32 $0xFFFFFEF7, lr;
	s5 =	simm.s32 $0xFFFFFFFF;
	p2 =	slt.u32 s8, $0xFFFFF086  }
0x1c: {  	p1 =	slt.u32 s9, $0xF7A;
	s5 =	simm.s32 @!p2 $0x0  }
0x1d: {  	s5 =	simm.s32 @p1 $0x1;
	p0 =	seq.s32 s7, s2  }
0x1e: {  	s7 =	smul.u32 @!p0 $0xF7A, s2;
	p2 =	seq.s32 @!p0 s5, $0x0  }
0x1f: {  	s9 =	smul.u32 $0xF7A, s1;
	s8 =	simm.s32 @!p0 $0x1BF5;
	p2 =	por !p2, p0  }
0x20: {  	[sflag:s8] =	ssyncset.s32 @!p0 $0xFFFFF086;
	s6 =	sadd.s32 @!p0 s3, s7;
	s7 =	simm.s32 @!p0 $0x108  }
0x21: {  	s3 =	sadd.s32 s3, s9;
	s6 =	sadd.s32 @!p0 $0x88, s6;
	s7 =	simm.s32 @p2 $0x1082  }
0x22: {  	[simem:s7], [sflag:s8] =	dma.local @!p0 [hbm:s6], $0xF7A  }
0x23: {  	s9 =	sor.u32 $0xD0000000, s2;
	s6 =	simm.s32 $0x108;
	_ =	swait.ge @!p0 [sflag:s8], $0x0  }
0x24: {  	s3 =	sadd.s32 $0x88, s3;
	s6 =	simm.s32 @!p1 $0x1082;
	[sflag:s4] =	ssyncset.s32 $0xFFFFF086  }
0x25: {  	[simem:s6], [sflag:s4] =	dma.local [hbm:s3], $0xF7A  }
0x26: {  	[smem:$0x3F99] =	sst s1;
	(tag) =	ssettag s2;
	_ =	strace s9  }
0x27: {  	s1 =	sld [smem:$0x3FA9]  }
0x28: {  	s2 =	sld [smem:$0x3FAA]  }
0x29: {  	s4 =	sld [smem:$0x3FAC]  }
0x2a: {  	p0 =	seq.s32 s5, $0x0;
	s5 =	sld [smem:$0x3FAD]  }
0x2b: {  	s6 =	sld [smem:$0x3FAE]  }
0x2c: {  	s7 =	sld [smem:$0x3FAF]  }
0x2d: {  	s3 =	simm.s32 $0x108;
	s8 =	sld [smem:$0x3FB0]  }
0x2e: {  	s3 =	simm.s32 @!p0 $0x1082;
	s9 =	sld [smem:$0x3FB1]  }
0x2f: {  	lr =	sadd.s32 s0, s3;
	s0 =	sld [smem:$0x3FA8]  }
0x30: {  	s3 =	sld [smem:$0x3FAB]  }
0x31: {  	[smem:$0x3FB4] =	sst s10  }
0x32: {  	s10 =	sld [smem:$0x3FB2];
	_ =	sdelay $0x3  }
0x33: {  	p0 =	seq.s32 s10, $0x1;
	s10 =	sld [smem:$0x3FB4];
	_ =	sdelay $0x3  }
0x34: {  	[smem:$0x3FB4] =	sst s10  }
0x35: {  	s10 =	sld [smem:$0x3FB3];
	_ =	sdelay $0x3  }
0x36: {  	p1 =	seq.s32 s10, $0x1;
	s10 =	sld [smem:$0x3FB4];
	_ =	sdelay $0x3  }
0x37: {  	[smem:$0x3FB4] =	sst s10  }
0x38: {  	s10 =	sld [smem:$0x3FB5]  }
0x39: {  	_ = 	snop;
	(pc) =	sbr.ind lr, $3  }
0x3a: {  	_ = 	snop  }
0x3b: {  	_ = 	snop  }
0x3c: {  	p2 =	seq.s32 s10, $0x1;
	s10 =	sld [smem:$0x3FB4]  }
0x3d: {  	_ =	shalt  }
0x3e: {  	_ =	shalt  }
0x3f: {  	_ =	shalt  }
0x40: {  	_ =	shalt  }
0x41: {  	_ =	shalt  }
0x42: {  	_ =	shalt  }
0x43: {  	_ =	shalt  }
0x44: {  	_ =	shalt  }
0x45: {  	_ =	shalt  }
0x46: {  	_ =	shalt  }
0x47: {  	_ =	shalt  }
0x48: {  	_ =	shalt  }
0x49: {  	_ =	shalt  }
0x4a: {  	_ =	shalt  }
0x4b: {  	_ =	shalt  }
0x4c: {  	_ =	shalt  }
0x4d: {  	_ =	shalt  }
0x4e: {  	_ =	shalt  }
0x4f: {  	_ =	shalt  }
0x50: {  	_ =	shalt  }
0x51: {  	_ =	shalt  }
0x52: {  	_ =	shalt  }
0x53: {  	_ =	shalt  }
0x54: {  	_ =	shalt  }
0x55: {  	_ =	shalt  }
0x56: {  	_ =	shalt  }
0x57: {  	_ =	shalt  }
0x58: {  	_ =	shalt  }
0x59: {  	_ =	shalt  }
0x5a: {  	_ =	shalt  }
0x5b: {  	_ =	shalt  }
0x5c: {  	_ =	shalt  }
0x5d: {  	_ =	shalt  }
0x5e: {  	_ =	shalt  }
0x5f: {  	_ =	shalt  }
0x60: {  	_ =	shalt  }
0x61: {  	_ =	shalt  }
0x62: {  	_ =	shalt  }
0x63: {  	_ =	shalt  }
0x64: {  	_ =	shalt  }
0x65: {  	_ =	shalt  }
0x66: {  	_ =	shalt  }
0x67: {  	_ =	shalt  }
0x68: {  	_ =	shalt  }
0x69: {  	_ =	shalt  }
0x6a: {  	_ =	shalt  }
0x6b: {  	_ =	shalt  }
0x6c: {  	_ =	shalt  }
0x6d: {  	_ =	shalt  }
0x6e: {  	_ =	shalt  }
0x6f: {  	_ =	shalt  }
0x70: {  	_ =	shalt  }
0x71: {  	_ =	shalt  }
0x72: {  	_ =	shalt  }
0x73: {  	_ =	shalt  }
0x74: {  	_ =	shalt  }
0x75: {  	_ =	shalt  }
0x76: {  	_ =	shalt  }
0x77: {  	_ =	shalt  }
0x78: {  	_ =	shalt  }
0x79: {  	_ =	shalt  }
0x7a: {  	_ =	shalt  }
0x7b: {  	_ =	shalt  }
0x7c: {  	_ =	shalt  }
0x7d: {  	_ =	shalt  }
0x7e: {  	_ =	shalt  }
0x7f: {  	_ =	shalt  }
0x80: {  	_ =	shalt  }
0x81: {  	_ =	shalt  }
0x82: {  	_ =	shalt  }
0x83: {  	_ =	shalt  }
0x84: {  	_ =	shalt  }
0x85: {  	_ =	shalt  }
0x86: {  	_ =	shalt  }
0x87: {  	_ =	shalt  }
.Lfunc_end0:
.L_simem_size_0:
called_computation.1_lowered:
.L_overlay_start_0:
0x88: {  	s2 =	sld [smem:$0x3FD9]  }
0x89: {  	s3 =	sld [smem:$0x3FFE];
	_ =	sdelay $0x1  }
0x8a: {  	s1 =	srdreg.scid  }
0x8b: {  	s0 =	sand.u32 $0x1, s1  }
0x8c: {  	s16 =	sshll.u32 s0, $0xA;
	s2 =	sadd.s32 s3, s2  }
0x8d: {  	s2 =	sadd.s32 s2, s16  }
0x8e: {  	[smem:$0x3FC0] =	sst s2  }
0x8f: {  	_ = 	snop  }
0x90: {  	(tm) =	ssettm $0x1  }
0x91: {  	s17 =	sld [smem:$0x3FFB];
	_ =	sdelay $0x3  }
0x92: {  	_ =	strace s17  }
0x93: {  	s2 =	sld [smem:$0x3FFC];
	_ =	sdelay $0x3  }
0x94: {  	_ =	strace s2  }
0x95: {  	s2 =	sld [smem:$0x3FFD];
	_ =	sdelay $0x3  }
0x96: {  	_ =	strace s2  }
0x97: {  	_ =	strace $0x8FFFFFFF  }
0x98: {  	s18 =	sld [smem:$0x3FDB];
	_ =	sdelay $0x1  }
0x99: {  	s19 =	simm.s32 $_scs_section_size  }
0x9a: {  	s4 =	simm.s32 $_size__tile_overlayer_lowered;
	s5 =	simm.s32 $_tile_overlayer_lowered  }
0x9b: {  	s22 =	simm.s32 $0x1BFF;
	s21 =	sshll.u32 s5, $0x1;
	s2 =	sadd.s32 s19, s18  }
0x9c: {  	s6 =	simm.s32 $0x0;
	s20 =	sshll.u32 s4, $0x1;
	s4 =	sadd.s32 s21, s2  }
0x9d: {  	[timem:s6], [sflag:s22] =	dma.local [hbm:s4], s20  }
0x9e: {  	_ =	swait.ge [sflag:s22], s20  }
0x9f: {  	s3 =	ssub.s32 $0x0, s20;
	[sflag:s22] =	ssyncset.done $0x0  }
0xa0: {  	[sflag:s22] =	ssyncadd.s32 s3;
	_ =	sdelay $0x1  }
0xa1: {  	s23 =	simm.s32 $0x1B8B  }
0xa2: {  	_ =	swait.ge [sflag:s23], $0x1  }
0xa3: {  	[sflag:s23] =	ssyncset.done $0x0  }
0xa4: {  	s25 =	simm.s32 $0x1B8E;
	s24 =	sld [smem:$0x3FFE];
	[sflag:s23] =	ssyncadd.s32 $0xFFFFFFFF  }
0xa5: {  	s26 =	simm.s32 $execute0_lowered;
	[smem:$0x3FD2] =	sst s25  }
0xa6: {  	s4 =	sshll.u32 s26, $0x1;
	_ =	strace $0x80000049;
	[dreg:$0x1] =	wrdreg $0xFFFFFFFF  }
0xa7: {  	s28 =	simm.s32 $_size_execute0_lowered;
	s2 =	sadd.s32 s2, s4;
	[dreg:$0x0] =	wrdreg $0x0  }
0xa8: {  	s4 =	sshll.u32 s28, $0x1;
	[dreg:$0x2] =	wrdreg s2  }
0xa9: {  	[dreg:$0x3] =	wrdreg s4  }
0xaa: {  	[dreg:$0x4] =	wrdreg $0xC0  }
0xab: {  	_ =	task [dreg:s6], $0x5FFFF  }
0xac: {  	[dreg:$0x1] =	wrdreg $0xFFFFFFFF  }
0xad: {  	[dreg:$0x0] =	wrdreg $0x60  }
0xae: {  	[dreg:$0x2] =	wrdreg s24  }
0xaf: {  	[dreg:$0x3] =	wrdreg $0x0  }
0xb0: {  	[dreg:$0x4] =	wrdreg $0x9  }
0xb1: {  	_ =	task.clear_ibuf [dreg:s6], $0x5FFFF;
	_ =	strace $0x90000049  }
0xb2: {  	s29 =	simm.s32 $0x9;
	_ =	strace $0x8000004B  }
0xb3: {  	_ =	swait.ge [sflag:s29], $0x1  }
0xb4: {  	[sflag:s29] =	ssyncadd.s32 $0xFFFFFFFF  }
0xb5: {  	_ =	strace $0x9000004B  }
0xb6: {  	_ =	sfence  }
0xb7: {  	s30 =	sld [smem:$0x0];
	_ =	sdelay $0x2  }
0xb8: {  	s31 =	sshll.u32 s1, $0xD;
	s1 =	sshrl.u32 s1, $0x2  }
0xb9: {  	s3 =	sand.u32 $0x4000, s31;
	s1 =	sadd.s32 s1, s30  }
0xba: {  	s0 =	sor.u32 s3, s0;
	s1 =	sshll.u32 s1, $0x11  }
0xbb: {  	s0 =	sor.u32 s1, s0  }
0xbc: {  	s0 =	sadd.s32 $0x8F2B, s0  }
0xbd: {  	[sflag:s0] =	ssyncadd.remote.s32 $0x1  }
0xbe: {  	_ =	sfence.sel $0xFFFF  }
0xbf: {  	[dreg:$0x0] =	wrdreg $0xFFFFFFFF;
	(pc) =	sbr.abs _section_cstart, $3  }
0xc0: {  	[dreg:$0x1] =	wrdreg $0xFFFFFFFF  }
0xc1: {  	_ =	task.clear_ibuf [dreg:s6], $0x2FFFF;
	_ =	strace $0x9FFFFFFF  }
0xc2: {  	(tm) =	ssettm $0x7FFFFFFF  }
0xc3: {  	_ =	shalt  }
tec
execute0_lowered:
.L_overlay_start_1:
0x0: {  	(tag) =	ssettag $0x1  }
0x1: {  	s5 =	rddreg [dreg:$0x0]  }
0x2: {  	s1 =	rddreg [dreg:$0x1]  }
0x3: {  	s0 =	rddreg [dreg:$0x2]  }
0x4: {  	s3 =	simm.s32 $0x0;
	s2 =	srdreg.scid;
	s17 =	simm.s32 $0x1BD00  }
0x5: {  	s18 =	simm.s32 $0x2;
	s19 =	simm.s32 $0x14000;
	s20 =	simm.s32 $0x17E80  }
0x6: {  	s21 =	simm.s32 $0x50;
	[smem:$0x7FF] =	sst s3;
	s6 =	sand.u32 $0x1, s2  }
0x7: {  	s22 =	simm.s32 $0x1;
	s2 =	stileid.u32;
	s7 =	smul.u32 $0x140000, s6  }
0x8: {  	s4 =	sshll.u32 s2, $0xC;
	s8 =	sshll.u32 s6, $0xB;
	s9 =	smul.u32 $0x14000, s2  }
0x9: {  	_ =	strace $0x8000004A;
	s10 =	smul.u32 $0x50000, s2;
	s6 =	ssub.s32 $0x2, s6  }
0xa: {  	s8 =	sor.u32 s8, s4;
	s4 =	sadd.s32 $0x36800, s5;
	s31 =	sshrl.u32 s6, $0x1  }
0xb: {  	s14 =	sadd.s32 s8, s5;
	s7 =	sadd.s32 s9, s7;
	s30 =	sshrl.u32 s10, $0x2  }
0xc: {  	s16 =	ssub.s32 s6, s31;
	s7 =	sshrl.u32 s7, $0x3;
	s13 =	sadd.s32 $0x26800, s14  }
0xd: {  	s14 =	sadd.s32 $0x16800, s14;
	s15 =	sadd.s32 s7, s5;
	s5 =	sadd.s32 s30, s1  }
0xe: {  	s16 =	smax.u32 s16, $0x1;
	s6 =	sadd.s32 $0x2800, s5;
	s7 =	sadd.s32 $0x5000, s5  }
0xf: {  	s8 =	sadd.s32 $0x7800, s5;
	s9 =	sadd.s32 $0xA000, s5;
	s10 =	sadd.s32 $0xC800, s5  }
0x10: {  	v0 =	vimm.f32 $0.0e+00;
	s11 =	sadd.s32 $0xF000, s5;
	s12 =	sadd.s32 $0x11800, s5;
	s15 =	sadd.s32 $0x84C00, s15  }
.LBB2_1:
0x11: {  	s23 =	simm.s32 $0x0;
	s24 =	simm.s32 $0x200  }
.LBB2_2:
0x12: {  	p0 =	sne.s32 s24, $0x9E00;
	[tilespmem:s23+$0x1BD70] =	vst v0  }
0x13: {  	[tilespmem:s23+$0x1BD00] =	vst v0  }
0x14: {  	[tilespmem:s23+$0x1BD10] =	vst v0  }
.Ltmp0:
0x15: {  	[tilespmem:s23+$0x1BD20] =	vst v0;
	(pc) =	sbr.rel @p0 .LBB2_2-.Ltmp0, $4  }
0x16: {  	[tilespmem:s23+$0x1BD30] =	vst v0  }
0x17: {  	[tilespmem:s23+$0x1BD40] =	vst v0  }
0x18: {  	[tilespmem:s23+$0x1BD50] =	vst v0  }
0x19: {  	[tilespmem:s23+$0x1BD60] =	vst v0;
	s23 =	sshra.s32 s24, $0x2;
	s24 =	sadd.s32 $0x200, s24  }
0x1a: {  	[tilespmem:s23+$0x1BD70] =	vst v0  }
0x1b: {  	[tilespmem:s23+$0x1BD00] =	vst v0  }
0x1c: {  	[tilespmem:s23+$0x1BD10] =	vst v0  }
0x1d: {  	[tilespmem:s23+$0x1BD20] =	vst v0  }
0x1e: {  	[tilespmem:s23+$0x1BD30] =	vst v0  }
0x1f: {  	[tilespmem:s23+$0x1BD40] =	vst v0  }
0x20: {  	[tilespmem:s23+$0x1BD50] =	vst v0  }
0x21: {  	[tilespmem:s23+$0x1BD60] =	vst v0  }
0x22: {  	[spmem:s5] =	stream.linear.scatter [tilespmem:s17], [sflag:$0x2], $0x2800, $0x38;
	[tilespmem:$0x1E500] =	vst v63  }
0x23: {  	_ =	swait.ge [sflag:s18], $0x2800  }
0x24: {  	[sflag:s18] =	ssyncset.done $0x0  }
0x25: {  	[sflag:s18] =	ssyncadd.s32 $0xFFFFD800  }
0x26: {  	[spmem:s6] =	stream.linear.scatter [tilespmem:s17], [sflag:$0x2], $0x2800, $0x38;
	[tilespmem:$0x1E500] =	vst v63  }
0x27: {  	_ =	swait.ge [sflag:s18], $0x2800  }
0x28: {  	[sflag:s18] =	ssyncset.done $0x0  }
0x29: {  	[sflag:s18] =	ssyncadd.s32 $0xFFFFD800  }
0x2a: {  	[spmem:s7] =	stream.linear.scatter [tilespmem:s17], [sflag:$0x2], $0x2800, $0x38;
	[tilespmem:$0x1E500] =	vst v63  }
0x2b: {  	_ =	swait.ge [sflag:s18], $0x2800  }
0x2c: {  	[sflag:s18] =	ssyncset.done $0x0  }
0x2d: {  	[sflag:s18] =	ssyncadd.s32 $0xFFFFD800  }
0x2e: {  	[spmem:s8] =	stream.linear.scatter [tilespmem:s17], [sflag:$0x2], $0x2800, $0x38;
	[tilespmem:$0x1E500] =	vst v63  }
0x2f: {  	_ =	swait.ge [sflag:s18], $0x2800  }
0x30: {  	[sflag:s18] =	ssyncset.done $0x0  }
0x31: {  	[sflag:s18] =	ssyncadd.s32 $0xFFFFD800  }
0x32: {  	[spmem:s9] =	stream.linear.scatter [tilespmem:s17], [sflag:$0x2], $0x2800, $0x38;
	[tilespmem:$0x1E500] =	vst v63  }
0x33: {  	_ =	swait.ge [sflag:s18], $0x2800  }
0x34: {  	[sflag:s18] =	ssyncset.done $0x0  }
0x35: {  	[sflag:s18] =	ssyncadd.s32 $0xFFFFD800  }
0x36: {  	[spmem:s10] =	stream.linear.scatter [tilespmem:s17], [sflag:$0x2], $0x2800, $0x38;
	[tilespmem:$0x1E500] =	vst v63  }
0x37: {  	_ =	swait.ge [sflag:s18], $0x2800  }
0x38: {  	[sflag:s18] =	ssyncset.done $0x0  }
0x39: {  	[sflag:s18] =	ssyncadd.s32 $0xFFFFD800  }
0x3a: {  	[spmem:s11] =	stream.linear.scatter [tilespmem:s17], [sflag:$0x2], $0x2800, $0x38;
	[tilespmem:$0x1E500] =	vst v63  }
0x3b: {  	_ =	swait.ge [sflag:s18], $0x2800  }
0x3c: {  	[sflag:s18] =	ssyncset.done $0x0  }
0x3d: {  	[sflag:s18] =	ssyncadd.s32 $0xFFFFD800  }
0x3e: {  	[spmem:s12] =	stream.linear.scatter [tilespmem:s17], [sflag:$0x2], $0x2800, $0x38;
	[tilespmem:$0x1E500] =	vst v63  }
0x3f: {  	_ =	swait.ge [sflag:s18], $0x2800  }
0x40: {  	[sflag:s18] =	ssyncset.done $0x0  }
0x41: {  	s29 =	simm.s32 $0x0;
	[sflag:s18] =	ssyncadd.s32 $0xFFFFD800  }
0x42: {  	[tilespmem:s19], [sflag:$0x2] =	stream.linear.gather [hbm4b:s13+s29], $0x3E80, $0x38;
	[tilespmem:$0x1E500] =	vst v63  }
0x43: {  	_ =	swait.ge [sflag:s18], $0x3E80  }
0x44: {  	[sflag:s18] =	ssyncset.done $0x0  }
0x45: {  	[sflag:s18] =	ssyncadd.s32 $0xFFFFC180  }
0x46: {  	[tilespmem:s20], [sflag:$0x2] =	stream.linear.gather [hbm4b:s14+s29], $0x3E80, $0x38;
	[tilespmem:$0x1E500] =	vst v63  }
0x47: {  	_ =	swait.ge [sflag:s18], $0x3E80  }
0x48: {  	[sflag:s18] =	ssyncset.done $0x0  }
0x49: {  	[sflag:s18] =	ssyncadd.s32 $0xFFFFC180  }
0x4a: {  	s30 =	simm.s32 $0x14000;
	[bflag:$0x0] =	sbarrier.arrive $0xFFFF  }
0x4b: {  	[tilespmem:s17], [sflag:$0x1] =	stream.indirect.gather [hbm4b:s4+s21], $0x80, s30, s21, $0xb8;
	[tilespmem:$0x1E500] =	vst v63  }
0x4c: {  	_ =	swait.ge [sflag:s22], $0x2800  }
0x4d: {  	[sflag:s22] =	ssyncset.done $0x0  }
0x4e: {  	s31 =	simm.s32 $0x17E80;
	[sflag:s22] =	ssyncadd.s32 $0xFFFFD800  }
0x4f: {  	[spmem:s1] =	stream.indirect.scatter.add.f32 [tilespmem:s17], [sflag:$0x2], $0x80, s31, s21, $0xb8;
	[tilespmem:$0x1E500] =	vst v63  }
0x50: {  	_ =	swait.ge [sflag:s18], $0x2800  }
0x51: {  	s24 =	simm.s32 $0x400;
	s23 =	simm.s32 $0x80;
	[sflag:s18] =	ssyncset.done $0x0  }
.LBB2_4:
0x52: {  	s25 =	sadd.s32 $0x14000, s23  }
0x53: {  	[sflag:s18] =	ssyncadd.s32 $0xFFFFD800;
	s26 =	smov.u32 s24;
	s28 =	sadd.s32 $0x200, s24  }
0x54: {  	[tilespmem:s17], [sflag:$0x1] =	stream.indirect.gather [hbm4b:s4+s21], $0x80, s25, s21, $0xb8;
	[tilespmem:$0x1E500] =	vst v63  }
0x55: {  	p0 =	sne.s32 s24, $0xF800;
	_ =	swait.ge [sflag:s22], $0x2800  }
.Ltmp1:
0x56: {  	[sflag:s22] =	ssyncset.done $0x0;
	(pc) =	sbr.rel @p0 .LBB2_4-.Ltmp1, $4  }
0x57: {  	s23 =	sadd.s32 $0x17E80, s23;
	[sflag:s22] =	ssyncadd.s32 $0xFFFFD800  }
0x58: {  	[spmem:s1] =	stream.indirect.scatter.add.f32 [tilespmem:s17], [sflag:$0x2], $0x80, s23, s21, $0xb8;
	[tilespmem:$0x1E500] =	vst v63  }
0x59: {  	_ =	swait.ge [sflag:s18], $0x2800  }
0x5a: {  	s24 =	smov.u32 s28;
	s23 =	sshra.s32 s26, $0x2;
	[sflag:s18] =	ssyncset.done $0x0  }
0x5b: {  	s24 =	sadd.s32 $0x14000, s23;
	[sflag:s18] =	ssyncadd.s32 $0xFFFFD800  }
0x5c: {  	[tilespmem:s17], [sflag:$0x1] =	stream.indirect.gather [hbm4b:s4+s21], $0x80, s24, s21, $0xb8;
	[tilespmem:$0x1E500] =	vst v63  }
0x5d: {  	_ =	swait.ge [sflag:s22], $0x2800  }
0x5e: {  	[sflag:s22] =	ssyncset.done $0x0  }
0x5f: {  	s29 =	sadd.s32 $0x17E80, s23;
	[sflag:s22] =	ssyncadd.s32 $0xFFFFD800  }
0x60: {  	[spmem:s1] =	stream.indirect.scatter.add.f32 [tilespmem:s17], [sflag:$0x2], $0x80, s29, s21, $0xb8;
	[tilespmem:$0x1E500] =	vst v63  }
0x61: {  	_ =	swait.ge [sflag:s18], $0x2800  }
0x62: {  	s30 =	sshll.u32 s2, $0x6;
	s3 =	sadd.s32 $0x1, s3;
	[sflag:s18] =	ssyncset.done $0x0  }
0x63: {  	s31 =	sshrl.u32 s5, $0x3;
	p0 =	sne.s32 s3, s16;
	[sflag:s18] =	ssyncadd.s32 $0xFFFFD800  }
.Ltmp2:
0x64: {  	s23 =	sor.u32 $0x1C02, s30;
	[bflag:$0x0] =	sbarrier.arrive $0xFFFF;
	(pc) =	sbr.rel @p0 .LBB2_1-.Ltmp2, $4  }
0x65: {  	[hbm:s15], [sflag:s23] =	dma.local [spmem:s31], $0x2800  }
0x66: {  	_ =	swait.ge [sflag:s18], $0x2800  }
0x67: {  	[sflag:s18] =	ssyncset.done $0x0  }
0x68: {  	[sflag:s18] =	ssyncadd.s32 $0xFFFFD800  }
0x69: {  	_ =	sfence.sel $0x180000  }
0x6a: {  	[bflag:$0x0] =	sbarrier.arrive $0xFFFF  }
0x6b: {  	p0 =	sne.s32 s2, $0x0;
	_ =	strace $0x9000004A  }
0x6c: {  	s0 =	sadd.s32 @!p0 $0x100000, s0;
	[bflag:$0x2] =	sbarrier.arrive $0xFFFF  }
0x6d: {  	[sflag:s0] =	ssyncadd.tile.s32 @!p0 $0x1;
	_ =	shalt  }
.Lfunc_end2:
_tile_overlayer_lowered:
.L_overlay_start_2:
0x6e: {  	(tag) =	ssettag $0x2  }
0x6f: {  	s0 =	rddreg [dreg:$0x0];
	s2 =	stileid.u32  }
0x70: {  	s1 =	rddreg [dreg:$0x1];
	p0 =	sne.s32 s2, $0x0  }
0x71: {  	s3 =	rddreg [dreg:$0x2];
	[bflag:$0x3] =	sbarrier.arrive $0xFFFF;
	s2 =	simm.s32 @!p0 $0x1C01  }
0x72: {  	[timem:s3], [sflag:s2] =	dma.local @!p0 [hbm:s0], s1  }
0x73: {  	s0 =	simm.s32 @!p0 $0x1  }
0x74: {  	_ =	swait.ge @!p0 [sflag:s0], s1  }
0x75: {  	s1 =	ssub.s32 @!p0 $0x0, s1;
	[sflag:s0] =	ssyncset.done @!p0 $0x0  }
0x76: {  	[sflag:s0] =	ssyncadd.s32 @!p0 s1  }
0x77: {  	[bflag:$0x3] =	sbarrier.arrive $0xFFFF  }
0x78: {  	_ =	shalt  }

// kernel: kernel.17.cloned.1.call-start
scs
__scs_entry_jumppad:
0x0: {  	(pc) =	sbr.rel $0x88, $3  }
0x1: {  	(tag) =	ssettag $0x0;
	lr =	simm.s32 $0x1  }
0x2: {  	[smem:$0x3F99] =	sst lr;
	_ =	strace $0xD0000000  }
0x3: {  	_ = 	snop  }
0x4: {  	_ = 	snop  }
0x5: {  	_ = 	snop  }
0x6: {  	_ = 	snop  }
0x7: {  	_ = 	snop  }
__scs_overlays_trampoline_lowered:
0x8: {  	[smem:$0x3FA8] =	sst s0  }
0x9: {  	[smem:$0x3FA9] =	sst s1  }
0xa: {  	[smem:$0x3FAA] =	sst s2  }
0xb: {  	[smem:$0x3FAB] =	sst s3  }
0xc: {  	[smem:$0x3FAC] =	sst s4  }
0xd: {  	[smem:$0x3FAD] =	sst s5  }
0xe: {  	[smem:$0x3FAE] =	sst s6  }
0xf: {  	[smem:$0x3FAF] =	sst s7  }
0x10: {  	[smem:$0x3FB0] =	sst s8  }
0x11: {  	[smem:$0x3FB1] =	sst s9;
	s0 =	simm.s32 @!p0 $0x0  }
0x12: {  	s1 =	sld [smem:$0x3F97];
	s0 =	simm.s32 @p0 $0x1  }
0x13: {  	[smem:$0x3FB2] =	sst s0;
	s0 =	simm.s32 @!p1 $0x0  }
0x14: {  	s2 =	sld [smem:$0x3F96];
	s0 =	simm.s32 @p1 $0x1  }
0x15: {  	[smem:$0x3FB3] =	sst s0;
	s0 =	simm.s32 @!p2 $0x0  }
0x16: {  	s3 =	sld [smem:$0x3FDB];
	s0 =	simm.s32 @p2 $0x1  }
0x17: {  	s4 =	simm.s32 $0x1BF5;
	[smem:$0x3FB5] =	sst s0  }
0x18: {  	s0 =	sld [smem:$0x3F98];
	_ =	swait.ge [sflag:s4], $0x0  }
0x19: {  	s7 =	sld [smem:$0x3F99]  }
0x1a: {  	s8 =	sadd.s32 $0xFFFFE003, lr  }
0x1b: {  	s9 =	sadd.s32 $0xFFFFFEF7, lr;
	s5 =	simm.s32 $0xFFFFFFFF;
	p2 =	slt.u32 s8, $0xFFFFF086  }
0x1c: {  	p1 =	slt.u32 s9, $0xF7A;
	s5 =	simm.s32 @!p2 $0x0  }
0x1d: {  	s5 =	simm.s32 @p1 $0x1;
	p0 =	seq.s32 s7, s2  }
0x1e: {  	s7 =	smul.u32 @!p0 $0xF7A, s2;
	p2 =	seq.s32 @!p0 s5, $0x0  }
0x1f: {  	s9 =	smul.u32 $0xF7A, s1;
	s8 =	simm.s32 @!p0 $0x1BF5;
	p2 =	por !p2, p0  }
0x20: {  	[sflag:s8] =	ssyncset.s32 @!p0 $0xFFFFF086;
	s6 =	sadd.s32 @!p0 s3, s7;
	s7 =	simm.s32 @!p0 $0x108  }
0x21: {  	s3 =	sadd.s32 s3, s9;
	s6 =	sadd.s32 @!p0 $0x88, s6;
	s7 =	simm.s32 @p2 $0x1082  }
0x22: {  	[simem:s7], [sflag:s8] =	dma.local @!p0 [hbm:s6], $0xF7A  }
0x23: {  	s9 =	sor.u32 $0xD0000000, s2;
	s6 =	simm.s32 $0x108;
	_ =	swait.ge @!p0 [sflag:s8], $0x0  }
0x24: {  	s3 =	sadd.s32 $0x88, s3;
	s6 =	simm.s32 @!p1 $0x1082;
	[sflag:s4] =	ssyncset.s32 $0xFFFFF086  }
0x25: {  	[simem:s6], [sflag:s4] =	dma.local [hbm:s3], $0xF7A  }
0x26: {  	[smem:$0x3F99] =	sst s1;
	(tag) =	ssettag s2;
	_ =	strace s9  }
0x27: {  	s1 =	sld [smem:$0x3FA9]  }
0x28: {  	s2 =	sld [smem:$0x3FAA]  }
0x29: {  	s4 =	sld [smem:$0x3FAC]  }
0x2a: {  	p0 =	seq.s32 s5, $0x0;
	s5 =	sld [smem:$0x3FAD]  }
0x2b: {  	s6 =	sld [smem:$0x3FAE]  }
0x2c: {  	s7 =	sld [smem:$0x3FAF]  }
0x2d: {  	s3 =	simm.s32 $0x108;
	s8 =	sld [smem:$0x3FB0]  }
0x2e: {  	s3 =	simm.s32 @!p0 $0x1082;
	s9 =	sld [smem:$0x3FB1]  }
0x2f: {  	lr =	sadd.s32 s0, s3;
	s0 =	sld [smem:$0x3FA8]  }
0x30: {  	s3 =	sld [smem:$0x3FAB]  }
0x31: {  	[smem:$0x3FB4] =	sst s10  }
0x32: {  	s10 =	sld [smem:$0x3FB2];
	_ =	sdelay $0x3  }
0x33: {  	p0 =	seq.s32 s10, $0x1;
	s10 =	sld [smem:$0x3FB4];
	_ =	sdelay $0x3  }
0x34: {  	[smem:$0x3FB4] =	sst s10  }
0x35: {  	s10 =	sld [smem:$0x3FB3];
	_ =	sdelay $0x3  }
0x36: {  	p1 =	seq.s32 s10, $0x1;
	s10 =	sld [smem:$0x3FB4];
	_ =	sdelay $0x3  }
0x37: {  	[smem:$0x3FB4] =	sst s10  }
0x38: {  	s10 =	sld [smem:$0x3FB5]  }
0x39: {  	_ = 	snop;
	(pc) =	sbr.ind lr, $3  }
0x3a: {  	_ = 	snop  }
0x3b: {  	_ = 	snop  }
0x3c: {  	p2 =	seq.s32 s10, $0x1;
	s10 =	sld [smem:$0x3FB4]  }
0x3d: {  	_ =	shalt  }
0x3e: {  	_ =	shalt  }
0x3f: {  	_ =	shalt  }
0x40: {  	_ =	shalt  }
0x41: {  	_ =	shalt  }
0x42: {  	_ =	shalt  }
0x43: {  	_ =	shalt  }
0x44: {  	_ =	shalt  }
0x45: {  	_ =	shalt  }
0x46: {  	_ =	shalt  }
0x47: {  	_ =	shalt  }
0x48: {  	_ =	shalt  }
0x49: {  	_ =	shalt  }
0x4a: {  	_ =	shalt  }
0x4b: {  	_ =	shalt  }
0x4c: {  	_ =	shalt  }
0x4d: {  	_ =	shalt  }
0x4e: {  	_ =	shalt  }
0x4f: {  	_ =	shalt  }
0x50: {  	_ =	shalt  }
0x51: {  	_ =	shalt  }
0x52: {  	_ =	shalt  }
0x53: {  	_ =	shalt  }
0x54: {  	_ =	shalt  }
0x55: {  	_ =	shalt  }
0x56: {  	_ =	shalt  }
0x57: {  	_ =	shalt  }
0x58: {  	_ =	shalt  }
0x59: {  	_ =	shalt  }
0x5a: {  	_ =	shalt  }
0x5b: {  	_ =	shalt  }
0x5c: {  	_ =	shalt  }
0x5d: {  	_ =	shalt  }
0x5e: {  	_ =	shalt  }
0x5f: {  	_ =	shalt  }
0x60: {  	_ =	shalt  }
0x61: {  	_ =	shalt  }
0x62: {  	_ =	shalt  }
0x63: {  	_ =	shalt  }
0x64: {  	_ =	shalt  }
0x65: {  	_ =	shalt  }
0x66: {  	_ =	shalt  }
0x67: {  	_ =	shalt  }
0x68: {  	_ =	shalt  }
0x69: {  	_ =	shalt  }
0x6a: {  	_ =	shalt  }
0x6b: {  	_ =	shalt  }
0x6c: {  	_ =	shalt  }
0x6d: {  	_ =	shalt  }
0x6e: {  	_ =	shalt  }
0x6f: {  	_ =	shalt  }
0x70: {  	_ =	shalt  }
0x71: {  	_ =	shalt  }
0x72: {  	_ =	shalt  }
0x73: {  	_ =	shalt  }
0x74: {  	_ =	shalt  }
0x75: {  	_ =	shalt  }
0x76: {  	_ =	shalt  }
0x77: {  	_ =	shalt  }
0x78: {  	_ =	shalt  }
0x79: {  	_ =	shalt  }
0x7a: {  	_ =	shalt  }
0x7b: {  	_ =	shalt  }
0x7c: {  	_ =	shalt  }
0x7d: {  	_ =	shalt  }
0x7e: {  	_ =	shalt  }
0x7f: {  	_ =	shalt  }
0x80: {  	_ =	shalt  }
0x81: {  	_ =	shalt  }
0x82: {  	_ =	shalt  }
0x83: {  	_ =	shalt  }
0x84: {  	_ =	shalt  }
0x85: {  	_ =	shalt  }
0x86: {  	_ =	shalt  }
0x87: {  	_ =	shalt  }
.Lfunc_end0:
.L_simem_size_0:
called_computation.2_lowered:
.L_overlay_start_0:
0x88: {  	s2 =	sld [smem:$0x3FD9]  }
0x89: {  	s3 =	sld [smem:$0x3FFE];
	_ =	sdelay $0x1  }
0x8a: {  	s1 =	srdreg.scid  }
0x8b: {  	s0 =	sand.u32 $0x1, s1  }
0x8c: {  	s16 =	sshll.u32 s0, $0xA;
	s2 =	sadd.s32 s3, s2  }
0x8d: {  	s2 =	sadd.s32 s2, s16  }
0x8e: {  	[smem:$0x3FC0] =	sst s2  }
0x8f: {  	_ = 	snop  }
0x90: {  	(tm) =	ssettm $0x1  }
0x91: {  	s17 =	sld [smem:$0x3FFB];
	_ =	sdelay $0x3  }
0x92: {  	_ =	strace s17  }
0x93: {  	s2 =	sld [smem:$0x3FFC];
	_ =	sdelay $0x3  }
0x94: {  	_ =	strace s2  }
0x95: {  	s2 =	sld [smem:$0x3FFD];
	_ =	sdelay $0x3  }
0x96: {  	_ =	strace s2  }
0x97: {  	_ =	strace $0x8FFFFFFF  }
0x98: {  	s18 =	sld [smem:$0x3FDB];
	_ =	sdelay $0x1  }
0x99: {  	s19 =	simm.s32 $_scs_section_size  }
0x9a: {  	s4 =	simm.s32 $_size__tile_overlayer_lowered;
	s5 =	simm.s32 $_tile_overlayer_lowered  }
0x9b: {  	s22 =	simm.s32 $0x1BFF;
	s21 =	sshll.u32 s5, $0x1;
	s2 =	sadd.s32 s19, s18  }
0x9c: {  	s6 =	simm.s32 $0x0;
	s20 =	sshll.u32 s4, $0x1;
	s4 =	sadd.s32 s21, s2  }
0x9d: {  	[timem:s6], [sflag:s22] =	dma.local [hbm:s4], s20  }
0x9e: {  	_ =	swait.ge [sflag:s22], s20  }
0x9f: {  	s3 =	ssub.s32 $0x0, s20;
	[sflag:s22] =	ssyncset.done $0x0  }
0xa0: {  	[sflag:s22] =	ssyncadd.s32 s3;
	_ =	sdelay $0x1  }
0xa1: {  	s23 =	simm.s32 $0x1B8B  }
0xa2: {  	_ =	swait.ge [sflag:s23], $0x1  }
0xa3: {  	[sflag:s23] =	ssyncset.done $0x0  }
0xa4: {  	s25 =	simm.s32 $0x1B8E;
	s24 =	sld [smem:$0x3FFE];
	[sflag:s23] =	ssyncadd.s32 $0xFFFFFFFF  }
0xa5: {  	s26 =	simm.s32 $execute0_lowered;
	[smem:$0x3FD2] =	sst s25  }
0xa6: {  	s4 =	sshll.u32 s26, $0x1;
	_ =	strace $0x8000004C;
	[dreg:$0x1] =	wrdreg $0xFFFFFFFF  }
0xa7: {  	s28 =	simm.s32 $_size_execute0_lowered;
	s2 =	sadd.s32 s2, s4;
	[dreg:$0x0] =	wrdreg $0x0  }
0xa8: {  	s4 =	sshll.u32 s28, $0x1;
	[dreg:$0x2] =	wrdreg s2  }
0xa9: {  	[dreg:$0x3] =	wrdreg s4  }
0xaa: {  	[dreg:$0x4] =	wrdreg $0xC0  }
0xab: {  	_ =	task [dreg:s6], $0x5FFFF  }
0xac: {  	[dreg:$0x1] =	wrdreg $0xFFFFFFFF  }
0xad: {  	[dreg:$0x0] =	wrdreg $0x60  }
0xae: {  	[dreg:$0x2] =	wrdreg s24  }
0xaf: {  	[dreg:$0x3] =	wrdreg $0x0  }
0xb0: {  	[dreg:$0x4] =	wrdreg $0x9  }
0xb1: {  	_ =	task.clear_ibuf [dreg:s6], $0x5FFFF;
	_ =	strace $0x9000004C  }
0xb2: {  	s29 =	simm.s32 $0x9;
	_ =	strace $0x8000004E  }
0xb3: {  	_ =	swait.ge [sflag:s29], $0x1  }
0xb4: {  	[sflag:s29] =	ssyncadd.s32 $0xFFFFFFFF  }
0xb5: {  	_ =	strace $0x9000004E  }
0xb6: {  	_ =	sfence  }
0xb7: {  	s30 =	sld [smem:$0x0];
	_ =	sdelay $0x2  }
0xb8: {  	s31 =	sshll.u32 s1, $0xD;
	s1 =	sshrl.u32 s1, $0x2  }
0xb9: {  	s3 =	sand.u32 $0x4000, s31;
	s1 =	sadd.s32 s1, s30  }
0xba: {  	s0 =	sor.u32 s3, s0;
	s1 =	sshll.u32 s1, $0x11  }
0xbb: {  	s0 =	sor.u32 s1, s0  }
0xbc: {  	s0 =	sadd.s32 $0x8F2B, s0  }
0xbd: {  	[sflag:s0] =	ssyncadd.remote.s32 $0x1  }
0xbe: {  	_ =	sfence.sel $0xFFFF  }
0xbf: {  	[dreg:$0x0] =	wrdreg $0xFFFFFFFF;
	(pc) =	sbr.abs _section_cstart, $3  }
0xc0: {  	[dreg:$0x1] =	wrdreg $0xFFFFFFFF  }
0xc1: {  	_ =	task.clear_ibuf [dreg:s6], $0x2FFFF;
	_ =	strace $0x9FFFFFFF  }
0xc2: {  	(tm) =	ssettm $0x7FFFFFFF  }
0xc3: {  	_ =	shalt  }
tec
execute0_lowered:
.L_overlay_start_1:
0x0: {  	(tag) =	ssettag $0x1  }
0x1: {  	s1 =	srdreg.scid;
	s6 =	rddreg [dreg:$0x0]  }
0x2: {  	s0 =	stileid.u32;
	s2 =	rddreg [dreg:$0x1]  }
0x3: {  	s3 =	simm.s32 $0x0;
	s17 =	simm.s32 $0xEE20;
	s18 =	simm.s32 $0x2  }
0x4: {  	s19 =	simm.s32 $0xA000;
	s20 =	simm.s32 $0xC710;
	s21 =	simm.s32 $0x50  }
0x5: {  	s22 =	simm.s32 $0x1;
	s5 =	sand.u32 $0x1, s1;
	s8 =	smul.u32 $0xA000, s0  }
0x6: {  	s29 =	sshll.u32 s0, $0x1;
	[smem:$0x7FF] =	sst s3;
	s10 =	smul.u32 $0x28000, s0  }
0x7: {  	s4 =	sadd.s32 $0x15E00, s6;
	s1 =	sor.u32 s5, s29;
	s9 =	smul.u32 $0xA0000, s5  }
0x8: {  	s5 =	ssub.s32 $0x2, s5;
	s7 =	smul.u32 $0x4E2, s1;
	s1 =	rddreg [dreg:$0x2]  }
0x9: {  	_ =	strace $0x8000004D;
	s31 =	sshrl.u32 s5, $0x1;
	s10 =	sshrl.u32 s10, $0x2  }
0xa: {  	s30 =	sadd.s32 s8, s9;
	s16 =	ssub.s32 s5, s31;
	s12 =	sadd.s32 s10, s2  }
0xb: {  	s5 =	sadd.s32 s8, s2;
	s14 =	sadd.s32 s7, s6;
	s7 =	sshrl.u32 s30, $0x3  }
0xc: {  	s8 =	sadd.s32 $0x3C00, s12;
	s9 =	sadd.s32 $0x5000, s12;
	s10 =	sadd.s32 $0x6400, s12  }
0xd: {  	s11 =	sadd.s32 $0x7800, s12;
	s16 =	smax.u32 s16, $0x1;
	s15 =	sadd.s32 s7, s6  }
0xe: {  	s6 =	sadd.s32 $0x1400, s12;
	s7 =	sadd.s32 $0x2800, s12;
	s12 =	sadd.s32 $0x8C00, s12  }
0xf: {  	v0 =	vimm.f32 $0.0e+00;
	s13 =	sadd.s32 $0xC000, s14;
	s14 =	sadd.s32 $0x2200, s14;
	s15 =	sadd.s32 $0x29800, s15  }
.LBB2_1:
0x10: {  	s24 =	simm.s32 $0x100;
	s23 =	simm.s32 $0x0  }
.LBB2_2:
0x11: {  	p0 =	sne.s32 s24, $0x4F00;
	[tilespmem:s23+$0xEE50] =	vst v0;
	s25 =	smov.u32 s24;
	s24 =	sadd.s32 $0x100, s24  }
.Ltmp0:
0x12: {  	[tilespmem:s23+$0xEE40] =	vst v0;
	(pc) =	sbr.rel @p0 .LBB2_2-.Ltmp0, $3  }
0x13: {  	[tilespmem:s23+$0xEE20] =	vst v0  }
0x14: {  	[tilespmem:s23+$0xEE30] =	vst v0;
	_ =	sdelay $0x1  }
0x15: {  	s23 =	sshra.s32 s25, $0x2  }
0x16: {  	[tilespmem:s23+$0xEE50] =	vst v0  }
0x17: {  	[tilespmem:s23+$0xEE40] =	vst v0  }
0x18: {  	[tilespmem:s23+$0xEE20] =	vst v0  }
0x19: {  	[tilespmem:s23+$0xEE30] =	vst v0  }
0x1a: {  	[spmem:s5] =	stream.linear.scatter [tilespmem:s17], [sflag:$0x2], $0x1400, $0x38;
	[tilespmem:$0x10220] =	vst v63  }
0x1b: {  	_ =	swait.ge [sflag:s18], $0x1400  }
0x1c: {  	[sflag:s18] =	ssyncset.done $0x0  }
0x1d: {  	[sflag:s18] =	ssyncadd.s32 $0xFFFFEC00  }
0x1e: {  	[spmem:s6] =	stream.linear.scatter [tilespmem:s17], [sflag:$0x2], $0x1400, $0x38;
	[tilespmem:$0x10220] =	vst v63  }
0x1f: {  	_ =	swait.ge [sflag:s18], $0x1400  }
0x20: {  	[sflag:s18] =	ssyncset.done $0x0  }
0x21: {  	[sflag:s18] =	ssyncadd.s32 $0xFFFFEC00  }
0x22: {  	[spmem:s7] =	stream.linear.scatter [tilespmem:s17], [sflag:$0x2], $0x1400, $0x38;
	[tilespmem:$0x10220] =	vst v63  }
0x23: {  	_ =	swait.ge [sflag:s18], $0x1400  }
0x24: {  	[sflag:s18] =	ssyncset.done $0x0  }
0x25: {  	[sflag:s18] =	ssyncadd.s32 $0xFFFFEC00  }
0x26: {  	[spmem:s8] =	stream.linear.scatter [tilespmem:s17], [sflag:$0x2], $0x1400, $0x38;
	[tilespmem:$0x10220] =	vst v63  }
0x27: {  	_ =	swait.ge [sflag:s18], $0x1400  }
0x28: {  	[sflag:s18] =	ssyncset.done $0x0  }
0x29: {  	[sflag:s18] =	ssyncadd.s32 $0xFFFFEC00  }
0x2a: {  	[spmem:s9] =	stream.linear.scatter [tilespmem:s17], [sflag:$0x2], $0x1400, $0x38;
	[tilespmem:$0x10220] =	vst v63  }
0x2b: {  	_ =	swait.ge [sflag:s18], $0x1400  }
0x2c: {  	[sflag:s18] =	ssyncset.done $0x0  }
0x2d: {  	[sflag:s18] =	ssyncadd.s32 $0xFFFFEC00  }
0x2e: {  	[spmem:s10] =	stream.linear.scatter [tilespmem:s17], [sflag:$0x2], $0x1400, $0x38;
	[tilespmem:$0x10220] =	vst v63  }
0x2f: {  	_ =	swait.ge [sflag:s18], $0x1400  }
0x30: {  	[sflag:s18] =	ssyncset.done $0x0  }
0x31: {  	[sflag:s18] =	ssyncadd.s32 $0xFFFFEC00  }
0x32: {  	[spmem:s11] =	stream.linear.scatter [tilespmem:s17], [sflag:$0x2], $0x1400, $0x38;
	[tilespmem:$0x10220] =	vst v63  }
0x33: {  	_ =	swait.ge [sflag:s18], $0x1400  }
0x34: {  	[sflag:s18] =	ssyncset.done $0x0  }
0x35: {  	[sflag:s18] =	ssyncadd.s32 $0xFFFFEC00  }
0x36: {  	[spmem:s12] =	stream.linear.scatter [tilespmem:s17], [sflag:$0x2], $0x1400, $0x38;
	[tilespmem:$0x10220] =	vst v63  }
0x37: {  	_ =	swait.ge [sflag:s18], $0x1400  }
0x38: {  	[sflag:s18] =	ssyncset.done $0x0  }
0x39: {  	s29 =	simm.s32 $0x0;
	[sflag:s18] =	ssyncadd.s32 $0xFFFFEC00  }
0x3a: {  	[tilespmem:s19], [sflag:$0x2] =	stream.linear.gather [hbm4b:s13+s29], $0x2710, $0x38;
	[tilespmem:$0x10220] =	vst v63  }
0x3b: {  	_ =	swait.ge [sflag:s18], $0x2710  }
0x3c: {  	[sflag:s18] =	ssyncset.done $0x0  }
0x3d: {  	[sflag:s18] =	ssyncadd.s32 $0xFFFFD8F0  }
0x3e: {  	[tilespmem:s20], [sflag:$0x2] =	stream.linear.gather [hbm4b:s14+s29], $0x2710, $0x38;
	[tilespmem:$0x10220] =	vst v63  }
0x3f: {  	_ =	swait.ge [sflag:s18], $0x2710  }
0x40: {  	[sflag:s18] =	ssyncset.done $0x0  }
0x41: {  	[sflag:s18] =	ssyncadd.s32 $0xFFFFD8F0  }
0x42: {  	s30 =	simm.s32 $0xA000;
	[bflag:$0x0] =	sbarrier.arrive $0xFFFF  }
0x43: {  	[tilespmem:s17], [sflag:$0x1] =	stream.indirect.gather [hbm4b:s4+s21], $0x40, s30, s21, $0xb8;
	[tilespmem:$0x10220] =	vst v63  }
0x44: {  	_ =	swait.ge [sflag:s22], $0x1400  }
0x45: {  	[sflag:s22] =	ssyncset.done $0x0  }
0x46: {  	s31 =	simm.s32 $0xC710;
	[sflag:s22] =	ssyncadd.s32 $0xFFFFEC00  }
0x47: {  	[spmem:s2] =	stream.indirect.scatter.add.f32 [tilespmem:s17], [sflag:$0x2], $0x40, s31, s21, $0xb8;
	[tilespmem:$0x10220] =	vst v63  }
0x48: {  	_ =	swait.ge [sflag:s18], $0x1400  }
0x49: {  	s24 =	simm.s32 $0x280;
	s23 =	simm.s32 $0x50;
	[sflag:s18] =	ssyncset.done $0x0  }
.LBB2_4:
0x4a: {  	s25 =	sadd.s32 $0xA000, s23  }
0x4b: {  	[sflag:s18] =	ssyncadd.s32 $0xFFFFEC00;
	s26 =	smov.u32 s24;
	s28 =	sadd.s32 $0x140, s24  }
0x4c: {  	[tilespmem:s17], [sflag:$0x1] =	stream.indirect.gather [hbm4b:s4+s21], $0x40, s25, s21, $0xb8;
	[tilespmem:$0x10220] =	vst v63  }
0x4d: {  	p0 =	sne.s32 s24, $0x9B00;
	_ =	swait.ge [sflag:s22], $0x1400  }
.Ltmp1:
0x4e: {  	[sflag:s22] =	ssyncset.done $0x0;
	(pc) =	sbr.rel @p0 .LBB2_4-.Ltmp1, $4  }
0x4f: {  	s23 =	sadd.s32 $0xC710, s23;
	[sflag:s22] =	ssyncadd.s32 $0xFFFFEC00  }
0x50: {  	[spmem:s2] =	stream.indirect.scatter.add.f32 [tilespmem:s17], [sflag:$0x2], $0x40, s23, s21, $0xb8;
	[tilespmem:$0x10220] =	vst v63  }
0x51: {  	_ =	swait.ge [sflag:s18], $0x1400  }
0x52: {  	s24 =	smov.u32 s28;
	s23 =	sshra.s32 s26, $0x2;
	[sflag:s18] =	ssyncset.done $0x0  }
0x53: {  	s24 =	sadd.s32 $0xA000, s23;
	[sflag:s18] =	ssyncadd.s32 $0xFFFFEC00  }
0x54: {  	[tilespmem:s17], [sflag:$0x1] =	stream.indirect.gather [hbm4b:s4+s21], $0x40, s24, s21, $0xb8;
	[tilespmem:$0x10220] =	vst v63  }
0x55: {  	_ =	swait.ge [sflag:s22], $0x1400  }
0x56: {  	[sflag:s22] =	ssyncset.done $0x0  }
0x57: {  	s29 =	sadd.s32 $0xC710, s23;
	[sflag:s22] =	ssyncadd.s32 $0xFFFFEC00  }
0x58: {  	[spmem:s2] =	stream.indirect.scatter.add.f32 [tilespmem:s17], [sflag:$0x2], $0x40, s29, s21, $0xb8;
	[tilespmem:$0x10220] =	vst v63  }
0x59: {  	_ =	swait.ge [sflag:s18], $0x1400  }
0x5a: {  	s30 =	sshll.u32 s0, $0x6;
	s3 =	sadd.s32 $0x1, s3;
	[sflag:s18] =	ssyncset.done $0x0  }
0x5b: {  	s31 =	sshrl.u32 s5, $0x3;
	p0 =	sne.s32 s3, s16;
	[sflag:s18] =	ssyncadd.s32 $0xFFFFEC00  }
.Ltmp2:
0x5c: {  	s23 =	sor.u32 $0x1C02, s30;
	[bflag:$0x0] =	sbarrier.arrive $0xFFFF;
	(pc) =	sbr.rel @p0 .LBB2_1-.Ltmp2, $4  }
0x5d: {  	[hbm:s15], [sflag:s23] =	dma.local [spmem:s31], $0x1400  }
0x5e: {  	_ =	swait.ge [sflag:s18], $0x1400  }
0x5f: {  	[sflag:s18] =	ssyncset.done $0x0  }
0x60: {  	[sflag:s18] =	ssyncadd.s32 $0xFFFFEC00  }
0x61: {  	_ =	sfence.sel $0x180000  }
0x62: {  	[bflag:$0x0] =	sbarrier.arrive $0xFFFF  }
0x63: {  	p0 =	sne.s32 s0, $0x0;
	_ =	strace $0x9000004D  }
0x64: {  	s0 =	sadd.s32 @!p0 $0x100000, s1;
	[bflag:$0x2] =	sbarrier.arrive $0xFFFF  }
0x65: {  	[sflag:s0] =	ssyncadd.tile.s32 @!p0 $0x1;
	_ =	shalt  }
.Lfunc_end2:
_tile_overlayer_lowered:
.L_overlay_start_2:
0x66: {  	(tag) =	ssettag $0x2  }
0x67: {  	s0 =	rddreg [dreg:$0x0];
	s2 =	stileid.u32  }
0x68: {  	s1 =	rddreg [dreg:$0x1];
	p0 =	sne.s32 s2, $0x0  }
0x69: {  	s3 =	rddreg [dreg:$0x2];
	[bflag:$0x3] =	sbarrier.arrive $0xFFFF;
	s2 =	simm.s32 @!p0 $0x1C01  }
0x6a: {  	[timem:s3], [sflag:s2] =	dma.local @!p0 [hbm:s0], s1  }
0x6b: {  	s0 =	simm.s32 @!p0 $0x1  }
0x6c: {  	_ =	swait.ge @!p0 [sflag:s0], s1  }
0x6d: {  	s1 =	ssub.s32 @!p0 $0x0, s1;
	[sflag:s0] =	ssyncset.done @!p0 $0x0  }
0x6e: {  	[sflag:s0] =	ssyncadd.s32 @!p0 s1  }
0x6f: {  	[bflag:$0x3] =	sbarrier.arrive $0xFFFF  }
0x70: {  	_ =	shalt  }

// kernel: kernel.20.cloned.1.call-start
scs
__scs_entry_jumppad:
0x0: {  	(pc) =	sbr.rel $0x88, $3  }
0x1: {  	(tag) =	ssettag $0x0;
	lr =	simm.s32 $0x1  }
0x2: {  	[smem:$0x3F99] =	sst lr;
	_ =	strace $0xD0000000  }
0x3: {  	_ = 	snop  }
0x4: {  	_ = 	snop  }
0x5: {  	_ = 	snop  }
0x6: {  	_ = 	snop  }
0x7: {  	_ = 	snop  }
__scs_overlays_trampoline_lowered:
0x8: {  	[smem:$0x3FA8] =	sst s0  }
0x9: {  	[smem:$0x3FA9] =	sst s1  }
0xa: {  	[smem:$0x3FAA] =	sst s2  }
0xb: {  	[smem:$0x3FAB] =	sst s3  }
0xc: {  	[smem:$0x3FAC] =	sst s4  }
0xd: {  	[smem:$0x3FAD] =	sst s5  }
0xe: {  	[smem:$0x3FAE] =	sst s6  }
0xf: {  	[smem:$0x3FAF] =	sst s7  }
0x10: {  	[smem:$0x3FB0] =	sst s8  }
0x11: {  	[smem:$0x3FB1] =	sst s9;
	s0 =	simm.s32 @!p0 $0x0  }
0x12: {  	s1 =	sld [smem:$0x3F97];
	s0 =	simm.s32 @p0 $0x1  }
0x13: {  	[smem:$0x3FB2] =	sst s0;
	s0 =	simm.s32 @!p1 $0x0  }
0x14: {  	s2 =	sld [smem:$0x3F96];
	s0 =	simm.s32 @p1 $0x1  }
0x15: {  	[smem:$0x3FB3] =	sst s0;
	s0 =	simm.s32 @!p2 $0x0  }
0x16: {  	s3 =	sld [smem:$0x3FDB];
	s0 =	simm.s32 @p2 $0x1  }
0x17: {  	s4 =	simm.s32 $0x1BF5;
	[smem:$0x3FB5] =	sst s0  }
0x18: {  	s0 =	sld [smem:$0x3F98];
	_ =	swait.ge [sflag:s4], $0x0  }
0x19: {  	s7 =	sld [smem:$0x3F99]  }
0x1a: {  	s8 =	sadd.s32 $0xFFFFE003, lr  }
0x1b: {  	s9 =	sadd.s32 $0xFFFFFEF7, lr;
	s5 =	simm.s32 $0xFFFFFFFF;
	p2 =	slt.u32 s8, $0xFFFFF086  }
0x1c: {  	p1 =	slt.u32 s9, $0xF7A;
	s5 =	simm.s32 @!p2 $0x0  }
0x1d: {  	s5 =	simm.s32 @p1 $0x1;
	p0 =	seq.s32 s7, s2  }
0x1e: {  	s7 =	smul.u32 @!p0 $0xF7A, s2;
	p2 =	seq.s32 @!p0 s5, $0x0  }
0x1f: {  	s9 =	smul.u32 $0xF7A, s1;
	s8 =	simm.s32 @!p0 $0x1BF5;
	p2 =	por !p2, p0  }
0x20: {  	[sflag:s8] =	ssyncset.s32 @!p0 $0xFFFFF086;
	s6 =	sadd.s32 @!p0 s3, s7;
	s7 =	simm.s32 @!p0 $0x108  }
0x21: {  	s3 =	sadd.s32 s3, s9;
	s6 =	sadd.s32 @!p0 $0x88, s6;
	s7 =	simm.s32 @p2 $0x1082  }
0x22: {  	[simem:s7], [sflag:s8] =	dma.local @!p0 [hbm:s6], $0xF7A  }
0x23: {  	s9 =	sor.u32 $0xD0000000, s2;
	s6 =	simm.s32 $0x108;
	_ =	swait.ge @!p0 [sflag:s8], $0x0  }
0x24: {  	s3 =	sadd.s32 $0x88, s3;
	s6 =	simm.s32 @!p1 $0x1082;
	[sflag:s4] =	ssyncset.s32 $0xFFFFF086  }
0x25: {  	[simem:s6], [sflag:s4] =	dma.local [hbm:s3], $0xF7A  }
0x26: {  	[smem:$0x3F99] =	sst s1;
	(tag) =	ssettag s2;
	_ =	strace s9  }
0x27: {  	s1 =	sld [smem:$0x3FA9]  }
0x28: {  	s2 =	sld [smem:$0x3FAA]  }
0x29: {  	s4 =	sld [smem:$0x3FAC]  }
0x2a: {  	p0 =	seq.s32 s5, $0x0;
	s5 =	sld [smem:$0x3FAD]  }
0x2b: {  	s6 =	sld [smem:$0x3FAE]  }
0x2c: {  	s7 =	sld [smem:$0x3FAF]  }
0x2d: {  	s3 =	simm.s32 $0x108;
	s8 =	sld [smem:$0x3FB0]  }
0x2e: {  	s3 =	simm.s32 @!p0 $0x1082;
	s9 =	sld [smem:$0x3FB1]  }
0x2f: {  	lr =	sadd.s32 s0, s3;
	s0 =	sld [smem:$0x3FA8]  }
0x30: {  	s3 =	sld [smem:$0x3FAB]  }
0x31: {  	[smem:$0x3FB4] =	sst s10  }
0x32: {  	s10 =	sld [smem:$0x3FB2];
	_ =	sdelay $0x3  }
0x33: {  	p0 =	seq.s32 s10, $0x1;
	s10 =	sld [smem:$0x3FB4];
	_ =	sdelay $0x3  }
0x34: {  	[smem:$0x3FB4] =	sst s10  }
0x35: {  	s10 =	sld [smem:$0x3FB3];
	_ =	sdelay $0x3  }
0x36: {  	p1 =	seq.s32 s10, $0x1;
	s10 =	sld [smem:$0x3FB4];
	_ =	sdelay $0x3  }
0x37: {  	[smem:$0x3FB4] =	sst s10  }
0x38: {  	s10 =	sld [smem:$0x3FB5]  }
0x39: {  	_ = 	snop;
	(pc) =	sbr.ind lr, $3  }
0x3a: {  	_ = 	snop  }
0x3b: {  	_ = 	snop  }
0x3c: {  	p2 =	seq.s32 s10, $0x1;
	s10 =	sld [smem:$0x3FB4]  }
0x3d: {  	_ =	shalt  }
0x3e: {  	_ =	shalt  }
0x3f: {  	_ =	shalt  }
0x40: {  	_ =	shalt  }
0x41: {  	_ =	shalt  }
0x42: {  	_ =	shalt  }
0x43: {  	_ =	shalt  }
0x44: {  	_ =	shalt  }
0x45: {  	_ =	shalt  }
0x46: {  	_ =	shalt  }
0x47: {  	_ =	shalt  }
0x48: {  	_ =	shalt  }
0x49: {  	_ =	shalt  }
0x4a: {  	_ =	shalt  }
0x4b: {  	_ =	shalt  }
0x4c: {  	_ =	shalt  }
0x4d: {  	_ =	shalt  }
0x4e: {  	_ =	shalt  }
0x4f: {  	_ =	shalt  }
0x50: {  	_ =	shalt  }
0x51: {  	_ =	shalt  }
0x52: {  	_ =	shalt  }
0x53: {  	_ =	shalt  }
0x54: {  	_ =	shalt  }
0x55: {  	_ =	shalt  }
0x56: {  	_ =	shalt  }
0x57: {  	_ =	shalt  }
0x58: {  	_ =	shalt  }
0x59: {  	_ =	shalt  }
0x5a: {  	_ =	shalt  }
0x5b: {  	_ =	shalt  }
0x5c: {  	_ =	shalt  }
0x5d: {  	_ =	shalt  }
0x5e: {  	_ =	shalt  }
0x5f: {  	_ =	shalt  }
0x60: {  	_ =	shalt  }
0x61: {  	_ =	shalt  }
0x62: {  	_ =	shalt  }
0x63: {  	_ =	shalt  }
0x64: {  	_ =	shalt  }
0x65: {  	_ =	shalt  }
0x66: {  	_ =	shalt  }
0x67: {  	_ =	shalt  }
0x68: {  	_ =	shalt  }
0x69: {  	_ =	shalt  }
0x6a: {  	_ =	shalt  }
0x6b: {  	_ =	shalt  }
0x6c: {  	_ =	shalt  }
0x6d: {  	_ =	shalt  }
0x6e: {  	_ =	shalt  }
0x6f: {  	_ =	shalt  }
0x70: {  	_ =	shalt  }
0x71: {  	_ =	shalt  }
0x72: {  	_ =	shalt  }
0x73: {  	_ =	shalt  }
0x74: {  	_ =	shalt  }
0x75: {  	_ =	shalt  }
0x76: {  	_ =	shalt  }
0x77: {  	_ =	shalt  }
0x78: {  	_ =	shalt  }
0x79: {  	_ =	shalt  }
0x7a: {  	_ =	shalt  }
0x7b: {  	_ =	shalt  }
0x7c: {  	_ =	shalt  }
0x7d: {  	_ =	shalt  }
0x7e: {  	_ =	shalt  }
0x7f: {  	_ =	shalt  }
0x80: {  	_ =	shalt  }
0x81: {  	_ =	shalt  }
0x82: {  	_ =	shalt  }
0x83: {  	_ =	shalt  }
0x84: {  	_ =	shalt  }
0x85: {  	_ =	shalt  }
0x86: {  	_ =	shalt  }
0x87: {  	_ =	shalt  }
.Lfunc_end0:
.L_simem_size_0:
called_computation.3_lowered:
.L_overlay_start_0:
0x88: {  	s2 =	sld [smem:$0x3FD9]  }
0x89: {  	s3 =	sld [smem:$0x3FFE];
	_ =	sdelay $0x1  }
0x8a: {  	s1 =	srdreg.scid  }
0x8b: {  	s0 =	sand.u32 $0x1, s1  }
0x8c: {  	s16 =	sshll.u32 s0, $0xA;
	s2 =	sadd.s32 s3, s2  }
0x8d: {  	s2 =	sadd.s32 s2, s16  }
0x8e: {  	[smem:$0x3FC0] =	sst s2  }
0x8f: {  	_ = 	snop  }
0x90: {  	(tm) =	ssettm $0x1  }
0x91: {  	s17 =	sld [smem:$0x3FFB];
	_ =	sdelay $0x3  }
0x92: {  	_ =	strace s17  }
0x93: {  	s2 =	sld [smem:$0x3FFC];
	_ =	sdelay $0x3  }
0x94: {  	_ =	strace s2  }
0x95: {  	s2 =	sld [smem:$0x3FFD];
	_ =	sdelay $0x3  }
0x96: {  	_ =	strace s2  }
0x97: {  	_ =	strace $0x8FFFFFFF  }
0x98: {  	s18 =	sld [smem:$0x3FDB];
	_ =	sdelay $0x1  }
0x99: {  	s19 =	simm.s32 $_scs_section_size  }
0x9a: {  	s4 =	simm.s32 $_size__tile_overlayer_lowered;
	s5 =	simm.s32 $_tile_overlayer_lowered  }
0x9b: {  	s22 =	simm.s32 $0x1BFF;
	s21 =	sshll.u32 s5, $0x1;
	s2 =	sadd.s32 s19, s18  }
0x9c: {  	s6 =	simm.s32 $0x0;
	s20 =	sshll.u32 s4, $0x1;
	s4 =	sadd.s32 s21, s2  }
0x9d: {  	[timem:s6], [sflag:s22] =	dma.local [hbm:s4], s20  }
0x9e: {  	_ =	swait.ge [sflag:s22], s20  }
0x9f: {  	s3 =	ssub.s32 $0x0, s20;
	[sflag:s22] =	ssyncset.done $0x0  }
0xa0: {  	[sflag:s22] =	ssyncadd.s32 s3;
	_ =	sdelay $0x1  }
0xa1: {  	s23 =	simm.s32 $0x1B8B  }
0xa2: {  	_ =	swait.ge [sflag:s23], $0x1  }
0xa3: {  	[sflag:s23] =	ssyncset.done $0x0  }
0xa4: {  	s25 =	simm.s32 $0x1B8E;
	s24 =	sld [smem:$0x3FFE];
	[sflag:s23] =	ssyncadd.s32 $0xFFFFFFFF  }
0xa5: {  	s26 =	simm.s32 $execute0_lowered;
	[smem:$0x3FD2] =	sst s25  }
0xa6: {  	s4 =	sshll.u32 s26, $0x1;
	_ =	strace $0x8000004F;
	[dreg:$0x1] =	wrdreg $0xFFFFFFFF  }
0xa7: {  	s28 =	simm.s32 $_size_execute0_lowered;
	s2 =	sadd.s32 s2, s4;
	[dreg:$0x0] =	wrdreg $0x0  }
0xa8: {  	s4 =	sshll.u32 s28, $0x1;
	[dreg:$0x2] =	wrdreg s2  }
0xa9: {  	[dreg:$0x3] =	wrdreg s4  }
0xaa: {  	[dreg:$0x4] =	wrdreg $0xC0  }
0xab: {  	_ =	task [dreg:s6], $0x5FFFF  }
0xac: {  	[dreg:$0x1] =	wrdreg $0xFFFFFFFF  }
0xad: {  	[dreg:$0x0] =	wrdreg $0x60  }
0xae: {  	[dreg:$0x2] =	wrdreg s24  }
0xaf: {  	[dreg:$0x3] =	wrdreg $0x0  }
0xb0: {  	[dreg:$0x4] =	wrdreg $0x9  }
0xb1: {  	_ =	task.clear_ibuf [dreg:s6], $0x5FFFF;
	_ =	strace $0x9000004F  }
0xb2: {  	s29 =	simm.s32 $0x9;
	_ =	strace $0x80000051  }
0xb3: {  	_ =	swait.ge [sflag:s29], $0x1  }
0xb4: {  	[sflag:s29] =	ssyncadd.s32 $0xFFFFFFFF  }
0xb5: {  	_ =	strace $0x90000051  }
0xb6: {  	_ =	sfence  }
0xb7: {  	s30 =	sld [smem:$0x0];
	_ =	sdelay $0x2  }
0xb8: {  	s31 =	sshll.u32 s1, $0xD;
	s1 =	sshrl.u32 s1, $0x2  }
0xb9: {  	s3 =	sand.u32 $0x4000, s31;
	s1 =	sadd.s32 s1, s30  }
0xba: {  	s0 =	sor.u32 s3, s0;
	s1 =	sshll.u32 s1, $0x11  }
0xbb: {  	s0 =	sor.u32 s1, s0  }
0xbc: {  	s0 =	sadd.s32 $0x8F2B, s0  }
0xbd: {  	[sflag:s0] =	ssyncadd.remote.s32 $0x1  }
0xbe: {  	_ =	sfence.sel $0xFFFF  }
0xbf: {  	[dreg:$0x0] =	wrdreg $0xFFFFFFFF;
	(pc) =	sbr.abs _section_cstart, $3  }
0xc0: {  	[dreg:$0x1] =	wrdreg $0xFFFFFFFF  }
0xc1: {  	_ =	task.clear_ibuf [dreg:s6], $0x2FFFF;
	_ =	strace $0x9FFFFFFF  }
0xc2: {  	(tm) =	ssettm $0x7FFFFFFF  }
0xc3: {  	_ =	shalt  }
tec
execute0_lowered:
.L_overlay_start_1:
0x0: {  	(tag) =	ssettag $0x1  }
0x1: {  	s5 =	rddreg [dreg:$0x0]  }
0x2: {  	s2 =	rddreg [dreg:$0x1]  }
0x3: {  	s0 =	rddreg [dreg:$0x2];
	s3 =	simm.s32 $0x0;
	s4 =	srdreg.scid  }
0x4: {  	s1 =	stileid.u32;
	s11 =	simm.s32 $0x2;
	s12 =	simm.s32 $0x280  }
0x5: {  	s13 =	simm.s32 $0x2990;
	s14 =	simm.s32 $0x50;
	s15 =	simm.s32 $0x50A0  }
0x6: {  	s16 =	simm.s32 $0x1;
	s19 =	simm.s32 $0x0;
	s6 =	sand.u32 $0x1, s4  }
0x7: {  	s31 =	sshll.u32 s1, $0x1;
	s7 =	smul.u32 $0x280, s1;
	[smem:$0x7FF] =	sst s3  }
0x8: {  	s17 =	sshll.u32 s1, $0x6;
	s4 =	sor.u32 s6, s31;
	s8 =	smul.u32 $0x2800, s6  }
0x9: {  	_ =	strace $0x80000050;
	s6 =	ssub.s32 $0x2, s6;
	s17 =	sor.u32 $0x1C02, s17  }
0xa: {  	s9 =	smul.u32 $0x4E2, s4;
	s10 =	sshrl.u32 s6, $0x1;
	s8 =	sadd.s32 s7, s8  }
0xb: {  	s4 =	sadd.s32 $0x15E00, s5;
	s10 =	ssub.s32 s6, s10;
	s8 =	sshrl.u32 s8, $0x3  }
0xc: {  	s9 =	sadd.s32 s9, s5;
	s8 =	sadd.s32 s8, s5;
	s5 =	sadd.s32 s7, s2  }
0xd: {  	s6 =	sadd.s32 $0xC000, s9;
	s7 =	sadd.s32 $0x2200, s9;
	s9 =	smax.u32 s10, $0x1  }
0xe: {  	v0 =	vimm.f32 $0.0e+00;
	s10 =	simm.s32 $0x50F0;
	s8 =	sadd.s32 $0x16400, s8;
	s18 =	sshrl.u32 s5, $0x3  }
.LBB2_1:
0xf: {  	[tilespmem:$0x50F0] =	vst v0  }
0x10: {  	[tilespmem:$0x5100] =	vst v0  }
0x11: {  	[tilespmem:$0x5110] =	vst v0  }
0x12: {  	[tilespmem:$0x5120] =	vst v0  }
0x13: {  	[tilespmem:$0x5130] =	vst v0  }
0x14: {  	[tilespmem:$0x5140] =	vst v0  }
0x15: {  	[tilespmem:$0x5150] =	vst v0  }
0x16: {  	[tilespmem:$0x5160] =	vst v0  }
0x17: {  	[tilespmem:$0x5170] =	vst v0  }
0x18: {  	[tilespmem:$0x5180] =	vst v0  }
0x19: {  	[tilespmem:$0x5190] =	vst v0  }
0x1a: {  	[tilespmem:$0x51A0] =	vst v0  }
0x1b: {  	[tilespmem:$0x51B0] =	vst v0  }
0x1c: {  	[tilespmem:$0x51C0] =	vst v0  }
0x1d: {  	[tilespmem:$0x51D0] =	vst v0  }
0x1e: {  	[tilespmem:$0x51E0] =	vst v0  }
0x1f: {  	[tilespmem:$0x51F0] =	vst v0  }
0x20: {  	[tilespmem:$0x5200] =	vst v0  }
0x21: {  	[tilespmem:$0x5210] =	vst v0  }
0x22: {  	[tilespmem:$0x5220] =	vst v0  }
0x23: {  	[tilespmem:$0x5230] =	vst v0  }
0x24: {  	[tilespmem:$0x5240] =	vst v0  }
0x25: {  	[tilespmem:$0x5250] =	vst v0  }
0x26: {  	[tilespmem:$0x5260] =	vst v0  }
0x27: {  	[tilespmem:$0x5270] =	vst v0  }
0x28: {  	[tilespmem:$0x5280] =	vst v0  }
0x29: {  	[tilespmem:$0x5290] =	vst v0  }
0x2a: {  	[tilespmem:$0x52A0] =	vst v0  }
0x2b: {  	[tilespmem:$0x52B0] =	vst v0  }
0x2c: {  	[tilespmem:$0x52C0] =	vst v0  }
0x2d: {  	[tilespmem:$0x52D0] =	vst v0  }
0x2e: {  	[tilespmem:$0x52E0] =	vst v0  }
0x2f: {  	[tilespmem:$0x52F0] =	vst v0  }
0x30: {  	[tilespmem:$0x5300] =	vst v0  }
0x31: {  	[tilespmem:$0x5310] =	vst v0  }
0x32: {  	[tilespmem:$0x5320] =	vst v0  }
0x33: {  	[tilespmem:$0x5330] =	vst v0  }
0x34: {  	[tilespmem:$0x5340] =	vst v0  }
0x35: {  	[tilespmem:$0x5350] =	vst v0  }
0x36: {  	[tilespmem:$0x5360] =	vst v0  }
0x37: {  	[spmem:s5] =	stream.linear.scatter [tilespmem:s10], [sflag:$0x2], $0x280, $0x38;
	[tilespmem:$0x5370] =	vst v63  }
0x38: {  	_ =	swait.ge [sflag:s11], $0x280  }
0x39: {  	[sflag:s11] =	ssyncset.done $0x0  }
0x3a: {  	[sflag:s11] =	ssyncadd.s32 $0xFFFFFD80  }
0x3b: {  	[tilespmem:s12], [sflag:$0x2] =	stream.linear.gather [hbm4b:s6+s3], $0x2710, $0x38;
	[tilespmem:$0x5370] =	vst v63  }
0x3c: {  	_ =	swait.ge [sflag:s11], $0x2710  }
0x3d: {  	[sflag:s11] =	ssyncset.done $0x0  }
0x3e: {  	[sflag:s11] =	ssyncadd.s32 $0xFFFFD8F0  }
0x3f: {  	[tilespmem:s13], [sflag:$0x2] =	stream.linear.gather [hbm4b:s7+s3], $0x2710, $0x38;
	[tilespmem:$0x5370] =	vst v63  }
0x40: {  	_ =	swait.ge [sflag:s11], $0x2710  }
0x41: {  	[sflag:s11] =	ssyncset.done $0x0  }
0x42: {  	[sflag:s11] =	ssyncadd.s32 $0xFFFFD8F0  }
0x43: {  	s20 =	simm.s32 $0x280;
	[bflag:$0x0] =	sbarrier.arrive $0xFFFF  }
0x44: {  	[tilespmem:s15], [sflag:$0x1] =	stream.indirect.gather [hbm4b:s4+s14], $0x1, s20, s14, $0xb8;
	[tilespmem:$0x5370] =	vst v63  }
0x45: {  	_ =	swait.ge [sflag:s16], $0x50  }
0x46: {  	[sflag:s16] =	ssyncset.done $0x0  }
0x47: {  	s31 =	simm.s32 $0x2990;
	[sflag:s16] =	ssyncadd.s32 $0xFFFFFFB0  }
0x48: {  	[spmem:s2] =	stream.indirect.scatter.add.f32 [tilespmem:s15], [sflag:$0x2], $0x1, s31, s14, $0xb8;
	[tilespmem:$0x5370] =	vst v63  }
0x49: {  	_ =	swait.ge [sflag:s11], $0x50  }
0x4a: {  	s21 =	simm.s32 $0x280;
	s20 =	simm.s32 $0x50;
	[sflag:s11] =	ssyncset.done $0x0  }
.LBB2_2:
0x4b: {  	s22 =	sadd.s32 $0x280, s20  }
0x4c: {  	[sflag:s11] =	ssyncadd.s32 $0xFFFFFFB0;
	s23 =	smov.u32 s21;
	s24 =	sadd.s32 $0x140, s21  }
0x4d: {  	[tilespmem:s15], [sflag:$0x1] =	stream.indirect.gather [hbm4b:s4+s14], $0x1, s22, s14, $0xb8;
	[tilespmem:$0x5370] =	vst v63  }
0x4e: {  	p0 =	sne.s32 s21, $0x9B00;
	_ =	swait.ge [sflag:s16], $0x50  }
.Ltmp0:
0x4f: {  	[sflag:s16] =	ssyncset.done $0x0;
	(pc) =	sbr.rel @p0 .LBB2_2-.Ltmp0, $4  }
0x50: {  	s20 =	sadd.s32 $0x2990, s20;
	[sflag:s16] =	ssyncadd.s32 $0xFFFFFFB0  }
0x51: {  	[spmem:s2] =	stream.indirect.scatter.add.f32 [tilespmem:s15], [sflag:$0x2], $0x1, s20, s14, $0xb8;
	[tilespmem:$0x5370] =	vst v63  }
0x52: {  	_ =	swait.ge [sflag:s11], $0x50  }
0x53: {  	s21 =	smov.u32 s24;
	s20 =	sshra.s32 s23, $0x2;
	[sflag:s11] =	ssyncset.done $0x0  }
0x54: {  	s21 =	sadd.s32 $0x280, s20;
	[sflag:s11] =	ssyncadd.s32 $0xFFFFFFB0  }
0x55: {  	[tilespmem:s15], [sflag:$0x1] =	stream.indirect.gather [hbm4b:s4+s14], $0x1, s21, s14, $0xb8;
	[tilespmem:$0x5370] =	vst v63  }
0x56: {  	_ =	swait.ge [sflag:s16], $0x50  }
0x57: {  	[sflag:s16] =	ssyncset.done $0x0  }
0x58: {  	s31 =	sadd.s32 $0x2990, s20;
	[sflag:s16] =	ssyncadd.s32 $0xFFFFFFB0  }
0x59: {  	[spmem:s2] =	stream.indirect.scatter.add.f32 [tilespmem:s15], [sflag:$0x2], $0x1, s31, s14, $0xb8;
	[tilespmem:$0x5370] =	vst v63  }
0x5a: {  	_ =	swait.ge [sflag:s11], $0x50  }
0x5b: {  	s19 =	sadd.s32 $0x1, s19;
	[sflag:s11] =	ssyncset.done $0x0  }
0x5c: {  	p0 =	sne.s32 s19, s9;
	[sflag:s11] =	ssyncadd.s32 $0xFFFFFFB0  }
.Ltmp1:
0x5d: {  	[bflag:$0x0] =	sbarrier.arrive $0xFFFF;
	(pc) =	sbr.rel @p0 .LBB2_1-.Ltmp1, $4  }
0x5e: {  	[hbm:s8], [sflag:s17] =	dma.local [spmem:s18], $0x50  }
0x5f: {  	_ =	swait.ge [sflag:s11], $0x50  }
0x60: {  	[sflag:s11] =	ssyncset.done $0x0  }
0x61: {  	[sflag:s11] =	ssyncadd.s32 $0xFFFFFFB0  }
0x62: {  	_ =	sfence.sel $0x180000  }
0x63: {  	[bflag:$0x0] =	sbarrier.arrive $0xFFFF  }
0x64: {  	p0 =	sne.s32 s1, $0x0;
	_ =	strace $0x90000050  }
0x65: {  	s0 =	sadd.s32 @!p0 $0x100000, s0;
	[bflag:$0x2] =	sbarrier.arrive $0xFFFF  }
0x66: {  	[sflag:s0] =	ssyncadd.tile.s32 @!p0 $0x1;
	_ =	shalt  }
.Lfunc_end2:
_tile_overlayer_lowered:
.L_overlay_start_2:
0x67: {  	(tag) =	ssettag $0x2  }
0x68: {  	s0 =	rddreg [dreg:$0x0];
	s2 =	stileid.u32  }
0x69: {  	s1 =	rddreg [dreg:$0x1];
	p0 =	sne.s32 s2, $0x0  }
0x6a: {  	s3 =	rddreg [dreg:$0x2];
	[bflag:$0x3] =	sbarrier.arrive $0xFFFF;
	s2 =	simm.s32 @!p0 $0x1C01  }
0x6b: {  	[timem:s3], [sflag:s2] =	dma.local @!p0 [hbm:s0], s1  }
0x6c: {  	s0 =	simm.s32 @!p0 $0x1  }
0x6d: {  	_ =	swait.ge @!p0 [sflag:s0], s1  }
0x6e: {  	s1 =	ssub.s32 @!p0 $0x0, s1;
	[sflag:s0] =	ssyncset.done @!p0 $0x0  }
0x6f: {  	[sflag:s0] =	ssyncadd.s32 @!p0 s1  }
0x70: {  	[bflag:$0x3] =	sbarrier.arrive $0xFFFF  }
0x71: {  	_ =	shalt  }

</sc_bundles>
